<compile_context>
chip_gen: v7x
topology: tpu7x:2x2x1
jax: 0.10.2.dev20260603
libtpu: 0.0.44.dev20260713+nightly
codegen_flags: <defaults>
</compile_context>

<pallas_src>
import functools

import jax
import jax.numpy as jnp
from jax import lax
from jax.experimental import pallas as pl
from jax.experimental.pallas import tpu as pltpu
from jax.experimental.pallas import tpu_sc as plsc

N_CLASSES = 1000
_W = 1024
BATCH = 16384
_L = 16

_NC = 2
_NS = 16
_NW = _NC * _NS
_ROWS_PER_W = BATCH // _NW
_C = 32
_NCHUNK = _ROWS_PER_W // _C
_NBUF = 2


def _onehot_body(p_hbm, out_hbm, p_v, b0, b1, s0, s1):
    bufs = (b0, b1)
    sems = (s0, s1)
    wid = lax.axis_index("s") * _NC + lax.axis_index("c")
    base = wid * _ROWS_PER_W
    pltpu.sync_copy(p_hbm.at[pl.ds(base, _ROWS_PER_W)], p_v)

    zeros16 = jnp.zeros((_L,), jnp.float32)
    ones16 = jnp.ones((_L,), jnp.float32)
    rows16 = lax.iota(jnp.int32, _L)

    def body(i, carry):
        for u in range(_W // _L):
            b0[i, pl.ds(u * _L, _L)] = zeros16
        return carry
    lax.fori_loop(0, _C, body, 0)
    for b in range(1, _NBUF):
        def bodyb(i, carry, _b=b):
            for u in range(_W // _L):
                bufs[_b][i, pl.ds(u * _L, _L)] = zeros16
            return carry
        lax.fori_loop(0, _C, bodyb, 0)

    def fire(b, off):
        for g in range(_C // _L):
            cols = p_v[pl.ds(off + g * _L, _L)]
            plsc.store_scatter(bufs[b], [rows16 + (g * _L), cols], ones16)
        pltpu.async_copy(bufs[b], out_hbm.at[pl.ds(base + off, _C)], sems[b])

    def drain(b):
        pltpu.make_async_copy(bufs[b], out_hbm.at[pl.ds(0, _C)], sems[b]).wait()

    for b in range(_NBUF):
        fire(b, b * _C)

    def group(gg, carry):
        off0 = gg * _NBUF * _C
        for b in range(_NBUF):
            off = off0 + b * _C
            drain(b)
            for g in range(_C // _L):
                old_cols = p_v[pl.ds(off - _NBUF * _C + g * _L, _L)]
                plsc.store_scatter(bufs[b], [rows16 + (g * _L), old_cols], zeros16)
            fire(b, off)
        return carry

    lax.fori_loop(1, _NCHUNK // _NBUF, group, 0)
    for b in range(_NBUF):
        drain(b)


def kernel(p, class_matrix):
    del class_matrix
    mesh = plsc.VectorSubcoreMesh(core_axis_name="c", subcore_axis_name="s")
    run = functools.partial(
        pl.kernel,
        mesh=mesh,
        out_type=jax.ShapeDtypeStruct((BATCH, _W), jnp.float32),
        scratch_types=[
            pltpu.VMEM((_ROWS_PER_W,), jnp.int32),
        ] + [pltpu.VMEM((_C, _W), jnp.float32)] * _NBUF
          + [pltpu.SemaphoreType.DMA] * _NBUF,
        compiler_params=pltpu.CompilerParams(needs_layout_passes=False),
    )(_onehot_body)
    return run(p.astype(jnp.int32))[:, :N_CLASSES]

# --- scband reference (transcript-rebuilt; emitter-appended) ---
"""Pipeline reference for scband-one-hot-13022340841913 (READ-ONLY COPY).

The authoritative reference and input builder live on the scoring server;
editing this copy changes nothing except your own understanding.
"""

import jax, jax.numpy as jnp
import numpy as np

N_CLASSES = 1000
BATCH = 16384

def setup_inputs(seed: int = 0) -> dict:
    key = jax.random.key(seed)
    k1, k2 = jax.random.split(key)
    p = jax.random.randint(k1, (BATCH,), 0, N_CLASSES, dtype=jnp.int64 if jax.config.jax_enable_x64 else jnp.int32)
    class_matrix = jnp.diag(jnp.ones((N_CLASSES,), dtype=jnp.float32))
    return {"p": p, "class_matrix": class_matrix}

def reference(p, class_matrix):
    # One_Hot.forward: return self.class_matrix[p]
    return jnp.take(class_matrix, p, axis=0)

if __name__ == "__main__":
    import jax
    _d = setup_inputs()
    print(jax.jit(kernel)(*tuple(_d.values())))

</pallas_src>

<mosaic_0001>
#map = affine_map<(d0, d1) -> (0)>
#map1 = affine_map<(d0, d1) -> (0, 0)>
module attributes {stable_mosaic.version = 14 : i64} {
  func.func @_onehot_body(%arg0: i32, %arg1: i32, %arg2: memref<16384xi32, #tpu.memory_space<hbm>>, %arg3: memref<16384x1024xf32, #tpu.memory_space<hbm>>, %arg4: memref<512xi32, #tpu.memory_space<vmem>>, %arg5: memref<32x1024xf32, #tpu.memory_space<vmem>>, %arg6: memref<32x1024xf32, #tpu.memory_space<vmem>>, %arg7: memref<!tpu.dma_semaphore, #tpu.memory_space<semaphore_mem>>, %arg8: memref<!tpu.dma_semaphore, #tpu.memory_space<semaphore_mem>>) attributes {dimension_semantics = [#tpu.dimension_semantics<core_parallel>, #tpu.dimension_semantics<subcore_parallel>], iteration_bounds = array<i64: 2, 16>, scalar_prefetch = 0 : i64, scratch_operands = 5 : i64, tpu.core_type = #tpu.core_type<sc_vector_subcore>, window_params = [{transform_indices = #map}, {transform_indices = #map1}]} {
    %mul3A = arith.constant 2 : i32
    %mul3A_0 = arith.muli %arg1, %mul3A : i32
    %add3A = arith.addi %mul3A_0, %arg0 : i32
    %mul3A_1 = arith.constant 512 : i32
    %mul3A_2 = arith.muli %add3A, %mul3A_1 : i32
    "tpu.region"() ({
      %run_scoped3A = tpu.sem_alloc : memref<!tpu.dma_semaphore, #tpu.memory_space<semaphore_mem>>
      %dma_start3A_64 = tpu.memref_slice %arg2[%mul3A_2] : memref<16384xi32, #tpu.memory_space<hbm>> -> memref<512xi32, #tpu.memory_space<hbm>>
      %dma_start3A_65 = tpu.memref_slice %arg2[%mul3A_2] : memref<16384xi32, #tpu.memory_space<hbm>> -> memref<512xi32, #tpu.memory_space<hbm>>
      tpu.enqueue_dma source(%dma_start3A_65 : memref<512xi32, #tpu.memory_space<hbm>>) target(%arg4 : memref<512xi32, #tpu.memory_space<vmem>>) target_semaphore(%run_scoped3A : memref<!tpu.dma_semaphore, #tpu.memory_space<semaphore_mem>>)
      %dma_wait3A_66 = tpu.memref_slice %arg2[%mul3A_2] : memref<16384xi32, #tpu.memory_space<hbm>> -> memref<512xi32, #tpu.memory_space<hbm>>
      %dma_wait3A_67 = tpu.memref_slice %arg2[%mul3A_2] : memref<16384xi32, #tpu.memory_space<hbm>> -> memref<512xi32, #tpu.memory_space<hbm>>
      tpu.wait_dma2 semaphore(%run_scoped3A : memref<!tpu.dma_semaphore, #tpu.memory_space<semaphore_mem>>) src(%dma_wait3A_67 : memref<512xi32, #tpu.memory_space<hbm>>) dst(%arg4 : memref<512xi32, #tpu.memory_space<vmem>>)
      tpu.yield
    }) : () -> ()
    %broadcast_in_dim3A = arith.constant 0.000000e+00 : f32
    %broadcast_in_dim3A_3 = vector.broadcast %broadcast_in_dim3A : f32 to vector<16xf32>
    %broadcast_in_dim3A_4 = arith.constant 1.000000e+00 : f32
    %broadcast_in_dim3A_5 = vector.broadcast %broadcast_in_dim3A_4 : f32 to vector<16xf32>
    %iota3A = tpu.iota {dimensions = array<i32: 0>} : vector<16xi32>
    %scan3A = arith.constant 0 : i32
    %scan3A_6 = arith.constant 0 : i32
    %scan3A_7 = arith.constant 32 : i32
    %scan3A_8 = arith.addi %scan3A_6, %scan3A_7 : i32
    %scan3A_9 = arith.constant 1 : i32
    scf.for %scan3A_64 = %scan3A_6 to %scan3A_8 step %scan3A_9  : i32 {
      %swap3A = arith.index_cast %scan3A_64 : i32 to index
      %swap3A_65 = arith.constant 0 : index
      %swap3A_66 = tpu.vector_load %arg5[%swap3A, %swap3A_65] {strides = array<i32>} : memref<32x1024xf32, #tpu.memory_space<vmem>>, vector<16xf32>,
      tpu.vector_store %arg5[%swap3A, %swap3A_65], %broadcast_in_dim3A_3 {strides = array<i32>} : memref<32x1024xf32, #tpu.memory_space<vmem>>, vector<16xf32>,
      %swap3A_67 = arith.index_cast %scan3A_64 : i32 to index
      %swap3A_68 = arith.constant 16 : index
      %swap3A_69 = tpu.vector_load %arg5[%swap3A_67, %swap3A_68] {strides = array<i32>} : memref<32x1024xf32, #tpu.memory_space<vmem>>, vector<16xf32>,
      tpu.vector_store %arg5[%swap3A_67, %swap3A_68], %broadcast_in_dim3A_3 {strides = array<i32>} : memref<32x1024xf32, #tpu.memory_space<vmem>>, vector<16xf32>,
      %swap3A_70 = arith.index_cast %scan3A_64 : i32 to index
      %swap3A_71 = arith.constant 32 : index
      %swap3A_72 = tpu.vector_load %arg5[%swap3A_70, %swap3A_71] {strides = array<i32>} : memref<32x1024xf32, #tpu.memory_space<vmem>>, vector<16xf32>,
      tpu.vector_store %arg5[%swap3A_70, %swap3A_71], %broadcast_in_dim3A_3 {strides = array<i32>} : memref<32x1024xf32, #tpu.memory_space<vmem>>, vector<16xf32>,
      %swap3A_73 = arith.index_cast %scan3A_64 : i32 to index
      %swap3A_74 = arith.constant 48 : index
      %swap3A_75 = tpu.vector_load %arg5[%swap3A_73, %swap3A_74] {strides = array<i32>} : memref<32x1024xf32, #tpu.memory_space<vmem>>, vector<16xf32>,
      tpu.vector_store %arg5[%swap3A_73, %swap3A_74], %broadcast_in_dim3A_3 {strides = array<i32>} : memref<32x1024xf32, #tpu.memory_space<vmem>>, vector<16xf32>,
      %swap3A_76 = arith.index_cast %scan3A_64 : i32 to index
      %swap3A_77 = arith.constant 64 : index
      %swap3A_78 = tpu.vector_load %arg5[%swap3A_76, %swap3A_77] {strides = array<i32>} : memref<32x1024xf32, #tpu.memory_space<vmem>>, vector<16xf32>,
      tpu.vector_store %arg5[%swap3A_76, %swap3A_77], %broadcast_in_dim3A_3 {strides = array<i32>} : memref<32x1024xf32, #tpu.memory_space<vmem>>, vector<16xf32>,
      %swap3A_79 = arith.index_cast %scan3A_64 : i32 to index
      %swap3A_80 = arith.constant 80 : index
      %swap3A_81 = tpu.vector_load %arg5[%swap3A_79, %swap3A_80] {strides = array<i32>} : memref<32x1024xf32, #tpu.memory_space<vmem>>, vector<16xf32>,
      tpu.vector_store %arg5[%swap3A_79, %swap3A_80], %broadcast_in_dim3A_3 {strides = array<i32>} : memref<32x1024xf32, #tpu.memory_space<vmem>>, vector<16xf32>,
      %swap3A_82 = arith.index_cast %scan3A_64 : i32 to index
      %swap3A_83 = arith.constant 96 : index
      %swap3A_84 = tpu.vector_load %arg5[%swap3A_82, %swap3A_83] {strides = array<i32>} : memref<32x1024xf32, #tpu.memory_space<vmem>>, vector<16xf32>,
      tpu.vector_store %arg5[%swap3A_82, %swap3A_83], %broadcast_in_dim3A_3 {strides = array<i32>} : memref<32x1024xf32, #tpu.memory_space<vmem>>, vector<16xf32>,
      %swap3A_85 = arith.index_cast %scan3A_64 : i32 to index
      %swap3A_86 = arith.constant 112 : index
      %swap3A_87 = tpu.vector_load %arg5[%swap3A_85, %swap3A_86] {strides = array<i32>} : memref<32x1024xf32, #tpu.memory_space<vmem>>, vector<16xf32>,
      tpu.vector_store %arg5[%swap3A_85, %swap3A_86], %broadcast_in_dim3A_3 {strides = array<i32>} : memref<32x1024xf32, #tpu.memory_space<vmem>>, vector<16xf32>,
      %swap3A_88 = arith.index_cast %scan3A_64 : i32 to index
      %swap3A_89 = arith.constant 128 : index
      %swap3A_90 = tpu.vector_load %arg5[%swap3A_88, %swap3A_89] {strides = array<i32>} : memref<32x1024xf32, #tpu.memory_space<vmem>>, vector<16xf32>,
      tpu.vector_store %arg5[%swap3A_88, %swap3A_89], %broadcast_in_dim3A_3 {strides = array<i32>} : memref<32x1024xf32, #tpu.memory_space<vmem>>, vector<16xf32>,
      %swap3A_91 = arith.index_cast %scan3A_64 : i32 to index
      %swap3A_92 = arith.constant 144 : index
      %swap3A_93 = tpu.vector_load %arg5[%swap3A_91, %swap3A_92] {strides = array<i32>} : memref<32x1024xf32, #tpu.memory_space<vmem>>, vector<16xf32>,
      tpu.vector_store %arg5[%swap3A_91, %swap3A_92], %broadcast_in_dim3A_3 {strides = array<i32>} : memref<32x1024xf32, #tpu.memory_space<vmem>>, vector<16xf32>,
      %swap3A_94 = arith.index_cast %scan3A_64 : i32 to index
      %swap3A_95 = arith.constant 160 : index
      %swap3A_96 = tpu.vector_load %arg5[%swap3A_94, %swap3A_95] {strides = array<i32>} : memref<32x1024xf32, #tpu.memory_space<vmem>>, vector<16xf32>,
      tpu.vector_store %arg5[%swap3A_94, %swap3A_95], %broadcast_in_dim3A_3 {strides = array<i32>} : memref<32x1024xf32, #tpu.memory_space<vmem>>, vector<16xf32>,
      %swap3A_97 = arith.index_cast %scan3A_64 : i32 to index
      %swap3A_98 = arith.constant 176 : index
      %swap3A_99 = tpu.vector_load %arg5[%swap3A_97, %swap3A_98] {strides = array<i32>} : memref<32x1024xf32, #tpu.memory_space<vmem>>, vector<16xf32>,
      tpu.vector_store %arg5[%swap3A_97, %swap3A_98], %broadcast_in_dim3A_3 {strides = array<i32>} : memref<32x1024xf32, #tpu.memory_space<vmem>>, vector<16xf32>,
      %swap3A_100 = arith.index_cast %scan3A_64 : i32 to index
      %swap3A_101 = arith.constant 192 : index
      %swap3A_102 = tpu.vector_load %arg5[%swap3A_100, %swap3A_101] {strides = array<i32>} : memref<32x1024xf32, #tpu.memory_space<vmem>>, vector<16xf32>,
      tpu.vector_store %arg5[%swap3A_100, %swap3A_101], %broadcast_in_dim3A_3 {strides = array<i32>} : memref<32x1024xf32, #tpu.memory_space<vmem>>, vector<16xf32>,
      %swap3A_103 = arith.index_cast %scan3A_64 : i32 to index
      %swap3A_104 = arith.constant 208 : index
      %swap3A_105 = tpu.vector_load %arg5[%swap3A_103, %swap3A_104] {strides = array<i32>} : memref<32x1024xf32, #tpu.memory_space<vmem>>, vector<16xf32>,
      tpu.vector_store %arg5[%swap3A_103, %swap3A_104], %broadcast_in_dim3A_3 {strides = array<i32>} : memref<32x1024xf32, #tpu.memory_space<vmem>>, vector<16xf32>,
      %swap3A_106 = arith.index_cast %scan3A_64 : i32 to index
      %swap3A_107 = arith.constant 224 : index
      %swap3A_108 = tpu.vector_load %arg5[%swap3A_106, %swap3A_107] {strides = array<i32>} : memref<32x1024xf32, #tpu.memory_space<vmem>>, vector<16xf32>,
      tpu.vector_store %arg5[%swap3A_106, %swap3A_107], %broadcast_in_dim3A_3 {strides = array<i32>} : memref<32x1024xf32, #tpu.memory_space<vmem>>, vector<16xf32>,
      %swap3A_109 = arith.index_cast %scan3A_64 : i32 to index
      %swap3A_110 = arith.constant 240 : index
      %swap3A_111 = tpu.vector_load %arg5[%swap3A_109, %swap3A_110] {strides = array<i32>} : memref<32x1024xf32, #tpu.memory_space<vmem>>, vector<16xf32>,
      tpu.vector_store %arg5[%swap3A_109, %swap3A_110], %broadcast_in_dim3A_3 {strides = array<i32>} : memref<32x1024xf32, #tpu.memory_space<vmem>>, vector<16xf32>,
      %swap3A_112 = arith.index_cast %scan3A_64 : i32 to index
      %swap3A_113 = arith.constant 256 : index
      %swap3A_114 = tpu.vector_load %arg5[%swap3A_112, %swap3A_113] {strides = array<i32>} : memref<32x1024xf32, #tpu.memory_space<vmem>>, vector<16xf32>,
      tpu.vector_store %arg5[%swap3A_112, %swap3A_113], %broadcast_in_dim3A_3 {strides = array<i32>} : memref<32x1024xf32, #tpu.memory_space<vmem>>, vector<16xf32>,
      %swap3A_115 = arith.index_cast %scan3A_64 : i32 to index
      %swap3A_116 = arith.constant 272 : index
      %swap3A_117 = tpu.vector_load %arg5[%swap3A_115, %swap3A_116] {strides = array<i32>} : memref<32x1024xf32, #tpu.memory_space<vmem>>, vector<16xf32>,
      tpu.vector_store %arg5[%swap3A_115, %swap3A_116], %broadcast_in_dim3A_3 {strides = array<i32>} : memref<32x1024xf32, #tpu.memory_space<vmem>>, vector<16xf32>,
      %swap3A_118 = arith.index_cast %scan3A_64 : i32 to index
      %swap3A_119 = arith.constant 288 : index
      %swap3A_120 = tpu.vector_load %arg5[%swap3A_118, %swap3A_119] {strides = array<i32>} : memref<32x1024xf32, #tpu.memory_space<vmem>>, vector<16xf32>,
      tpu.vector_store %arg5[%swap3A_118, %swap3A_119], %broadcast_in_dim3A_3 {strides = array<i32>} : memref<32x1024xf32, #tpu.memory_space<vmem>>, vector<16xf32>,
      %swap3A_121 = arith.index_cast %scan3A_64 : i32 to index
      %swap3A_122 = arith.constant 304 : index
      %swap3A_123 = tpu.vector_load %arg5[%swap3A_121, %swap3A_122] {strides = array<i32>} : memref<32x1024xf32, #tpu.memory_space<vmem>>, vector<16xf32>,
      tpu.vector_store %arg5[%swap3A_121, %swap3A_122], %broadcast_in_dim3A_3 {strides = array<i32>} : memref<32x1024xf32, #tpu.memory_space<vmem>>, vector<16xf32>,
      %swap3A_124 = arith.index_cast %scan3A_64 : i32 to index
      %swap3A_125 = arith.constant 320 : index
      %swap3A_126 = tpu.vector_load %arg5[%swap3A_124, %swap3A_125] {strides = array<i32>} : memref<32x1024xf32, #tpu.memory_space<vmem>>, vector<16xf32>,
      tpu.vector_store %arg5[%swap3A_124, %swap3A_125], %broadcast_in_dim3A_3 {strides = array<i32>} : memref<32x1024xf32, #tpu.memory_space<vmem>>, vector<16xf32>,
      %swap3A_127 = arith.index_cast %scan3A_64 : i32 to index
      %swap3A_128 = arith.constant 336 : index
      %swap3A_129 = tpu.vector_load %arg5[%swap3A_127, %swap3A_128] {strides = array<i32>} : memref<32x1024xf32, #tpu.memory_space<vmem>>, vector<16xf32>,
      tpu.vector_store %arg5[%swap3A_127, %swap3A_128], %broadcast_in_dim3A_3 {strides = array<i32>} : memref<32x1024xf32, #tpu.memory_space<vmem>>, vector<16xf32>,
      %swap3A_130 = arith.index_cast %scan3A_64 : i32 to index
      %swap3A_131 = arith.constant 352 : index
      %swap3A_132 = tpu.vector_load %arg5[%swap3A_130, %swap3A_131] {strides = array<i32>} : memref<32x1024xf32, #tpu.memory_space<vmem>>, vector<16xf32>,
      tpu.vector_store %arg5[%swap3A_130, %swap3A_131], %broadcast_in_dim3A_3 {strides = array<i32>} : memref<32x1024xf32, #tpu.memory_space<vmem>>, vector<16xf32>,
      %swap3A_133 = arith.index_cast %scan3A_64 : i32 to index
      %swap3A_134 = arith.constant 368 : index
      %swap3A_135 = tpu.vector_load %arg5[%swap3A_133, %swap3A_134] {strides = array<i32>} : memref<32x1024xf32, #tpu.memory_space<vmem>>, vector<16xf32>,
      tpu.vector_store %arg5[%swap3A_133, %swap3A_134], %broadcast_in_dim3A_3 {strides = array<i32>} : memref<32x1024xf32, #tpu.memory_space<vmem>>, vector<16xf32>,
      %swap3A_136 = arith.index_cast %scan3A_64 : i32 to index
      %swap3A_137 = arith.constant 384 : index
      %swap3A_138 = tpu.vector_load %arg5[%swap3A_136, %swap3A_137] {strides = array<i32>} : memref<32x1024xf32, #tpu.memory_space<vmem>>, vector<16xf32>,
      tpu.vector_store %arg5[%swap3A_136, %swap3A_137], %broadcast_in_dim3A_3 {strides = array<i32>} : memref<32x1024xf32, #tpu.memory_space<vmem>>, vector<16xf32>,
      %swap3A_139 = arith.index_cast %scan3A_64 : i32 to index
      %swap3A_140 = arith.constant 400 : index
      %swap3A_141 = tpu.vector_load %arg5[%swap3A_139, %swap3A_140] {strides = array<i32>} : memref<32x1024xf32, #tpu.memory_space<vmem>>, vector<16xf32>,
      tpu.vector_store %arg5[%swap3A_139, %swap3A_140], %broadcast_in_dim3A_3 {strides = array<i32>} : memref<32x1024xf32, #tpu.memory_space<vmem>>, vector<16xf32>,
      %swap3A_142 = arith.index_cast %scan3A_64 : i32 to index
      %swap3A_143 = arith.constant 416 : index
      %swap3A_144 = tpu.vector_load %arg5[%swap3A_142, %swap3A_143] {strides = array<i32>} : memref<32x1024xf32, #tpu.memory_space<vmem>>, vector<16xf32>,
      tpu.vector_store %arg5[%swap3A_142, %swap3A_143], %broadcast_in_dim3A_3 {strides = array<i32>} : memref<32x1024xf32, #tpu.memory_space<vmem>>, vector<16xf32>,
      %swap3A_145 = arith.index_cast %scan3A_64 : i32 to index
      %swap3A_146 = arith.constant 432 : index
      %swap3A_147 = tpu.vector_load %arg5[%swap3A_145, %swap3A_146] {strides = array<i32>} : memref<32x1024xf32, #tpu.memory_space<vmem>>, vector<16xf32>,
      tpu.vector_store %arg5[%swap3A_145, %swap3A_146], %broadcast_in_dim3A_3 {strides = array<i32>} : memref<32x1024xf32, #tpu.memory_space<vmem>>, vector<16xf32>,
      %swap3A_148 = arith.index_cast %scan3A_64 : i32 to index
      %swap3A_149 = arith.constant 448 : index
      %swap3A_150 = tpu.vector_load %arg5[%swap3A_148, %swap3A_149] {strides = array<i32>} : memref<32x1024xf32, #tpu.memory_space<vmem>>, vector<16xf32>,
      tpu.vector_store %arg5[%swap3A_148, %swap3A_149], %broadcast_in_dim3A_3 {strides = array<i32>} : memref<32x1024xf32, #tpu.memory_space<vmem>>, vector<16xf32>,
      %swap3A_151 = arith.index_cast %scan3A_64 : i32 to index
      %swap3A_152 = arith.constant 464 : index
      %swap3A_153 = tpu.vector_load %arg5[%swap3A_151, %swap3A_152] {strides = array<i32>} : memref<32x1024xf32, #tpu.memory_space<vmem>>, vector<16xf32>,
      tpu.vector_store %arg5[%swap3A_151, %swap3A_152], %broadcast_in_dim3A_3 {strides = array<i32>} : memref<32x1024xf32, #tpu.memory_space<vmem>>, vector<16xf32>,
      %swap3A_154 = arith.index_cast %scan3A_64 : i32 to index
      %swap3A_155 = arith.constant 480 : index
      %swap3A_156 = tpu.vector_load %arg5[%swap3A_154, %swap3A_155] {strides = array<i32>} : memref<32x1024xf32, #tpu.memory_space<vmem>>, vector<16xf32>,
      tpu.vector_store %arg5[%swap3A_154, %swap3A_155], %broadcast_in_dim3A_3 {strides = array<i32>} : memref<32x1024xf32, #tpu.memory_space<vmem>>, vector<16xf32>,
      %swap3A_157 = arith.index_cast %scan3A_64 : i32 to index
      %swap3A_158 = arith.constant 496 : index
      %swap3A_159 = tpu.vector_load %arg5[%swap3A_157, %swap3A_158] {strides = array<i32>} : memref<32x1024xf32, #tpu.memory_space<vmem>>, vector<16xf32>,
      tpu.vector_store %arg5[%swap3A_157, %swap3A_158], %broadcast_in_dim3A_3 {strides = array<i32>} : memref<32x1024xf32, #tpu.memory_space<vmem>>, vector<16xf32>,
      %swap3A_160 = arith.index_cast %scan3A_64 : i32 to index
      %swap3A_161 = arith.constant 512 : index
      %swap3A_162 = tpu.vector_load %arg5[%swap3A_160, %swap3A_161] {strides = array<i32>} : memref<32x1024xf32, #tpu.memory_space<vmem>>, vector<16xf32>,
      tpu.vector_store %arg5[%swap3A_160, %swap3A_161], %broadcast_in_dim3A_3 {strides = array<i32>} : memref<32x1024xf32, #tpu.memory_space<vmem>>, vector<16xf32>,
      %swap3A_163 = arith.index_cast %scan3A_64 : i32 to index
      %swap3A_164 = arith.constant 528 : index
      %swap3A_165 = tpu.vector_load %arg5[%swap3A_163, %swap3A_164] {strides = array<i32>} : memref<32x1024xf32, #tpu.memory_space<vmem>>, vector<16xf32>,
      tpu.vector_store %arg5[%swap3A_163, %swap3A_164], %broadcast_in_dim3A_3 {strides = array<i32>} : memref<32x1024xf32, #tpu.memory_space<vmem>>, vector<16xf32>,
      %swap3A_166 = arith.index_cast %scan3A_64 : i32 to index
      %swap3A_167 = arith.constant 544 : index
      %swap3A_168 = tpu.vector_load %arg5[%swap3A_166, %swap3A_167] {strides = array<i32>} : memref<32x1024xf32, #tpu.memory_space<vmem>>, vector<16xf32>,
      tpu.vector_store %arg5[%swap3A_166, %swap3A_167], %broadcast_in_dim3A_3 {strides = array<i32>} : memref<32x1024xf32, #tpu.memory_space<vmem>>, vector<16xf32>,
      %swap3A_169 = arith.index_cast %scan3A_64 : i32 to index
      %swap3A_170 = arith.constant 560 : index
      %swap3A_171 = tpu.vector_load %arg5[%swap3A_169, %swap3A_170] {strides = array<i32>} : memref<32x1024xf32, #tpu.memory_space<vmem>>, vector<16xf32>,
      tpu.vector_store %arg5[%swap3A_169, %swap3A_170], %broadcast_in_dim3A_3 {strides = array<i32>} : memref<32x1024xf32, #tpu.memory_space<vmem>>, vector<16xf32>,
      %swap3A_172 = arith.index_cast %scan3A_64 : i32 to index
      %swap3A_173 = arith.constant 576 : index
      %swap3A_174 = tpu.vector_load %arg5[%swap3A_172, %swap3A_173] {strides = array<i32>} : memref<32x1024xf32, #tpu.memory_space<vmem>>, vector<16xf32>,
      tpu.vector_store %arg5[%swap3A_172, %swap3A_173], %broadcast_in_dim3A_3 {strides = array<i32>} : memref<32x1024xf32, #tpu.memory_space<vmem>>, vector<16xf32>,
      %swap3A_175 = arith.index_cast %scan3A_64 : i32 to index
      %swap3A_176 = arith.constant 592 : index
      %swap3A_177 = tpu.vector_load %arg5[%swap3A_175, %swap3A_176] {strides = array<i32>} : memref<32x1024xf32, #tpu.memory_space<vmem>>, vector<16xf32>,
      tpu.vector_store %arg5[%swap3A_175, %swap3A_176], %broadcast_in_dim3A_3 {strides = array<i32>} : memref<32x1024xf32, #tpu.memory_space<vmem>>, vector<16xf32>,
      %swap3A_178 = arith.index_cast %scan3A_64 : i32 to index
      %swap3A_179 = arith.constant 608 : index
      %swap3A_180 = tpu.vector_load %arg5[%swap3A_178, %swap3A_179] {strides = array<i32>} : memref<32x1024xf32, #tpu.memory_space<vmem>>, vector<16xf32>,
      tpu.vector_store %arg5[%swap3A_178, %swap3A_179], %broadcast_in_dim3A_3 {strides = array<i32>} : memref<32x1024xf32, #tpu.memory_space<vmem>>, vector<16xf32>,
      %swap3A_181 = arith.index_cast %scan3A_64 : i32 to index
      %swap3A_182 = arith.constant 624 : index
      %swap3A_183 = tpu.vector_load %arg5[%swap3A_181, %swap3A_182] {strides = array<i32>} : memref<32x1024xf32, #tpu.memory_space<vmem>>, vector<16xf32>,
      tpu.vector_store %arg5[%swap3A_181, %swap3A_182], %broadcast_in_dim3A_3 {strides = array<i32>} : memref<32x1024xf32, #tpu.memory_space<vmem>>, vector<16xf32>,
      %swap3A_184 = arith.index_cast %scan3A_64 : i32 to index
      %swap3A_185 = arith.constant 640 : index
      %swap3A_186 = tpu.vector_load %arg5[%swap3A_184, %swap3A_185] {strides = array<i32>} : memref<32x1024xf32, #tpu.memory_space<vmem>>, vector<16xf32>,
      tpu.vector_store %arg5[%swap3A_184, %swap3A_185], %broadcast_in_dim3A_3 {strides = array<i32>} : memref<32x1024xf32, #tpu.memory_space<vmem>>, vector<16xf32>,
      %swap3A_187 = arith.index_cast %scan3A_64 : i32 to index
      %swap3A_188 = arith.constant 656 : index
      %swap3A_189 = tpu.vector_load %arg5[%swap3A_187, %swap3A_188] {strides = array<i32>} : memref<32x1024xf32, #tpu.memory_space<vmem>>, vector<16xf32>,
      tpu.vector_store %arg5[%swap3A_187, %swap3A_188], %broadcast_in_dim3A_3 {strides = array<i32>} : memref<32x1024xf32, #tpu.memory_space<vmem>>, vector<16xf32>,
      %swap3A_190 = arith.index_cast %scan3A_64 : i32 to index
      %swap3A_191 = arith.constant 672 : index
      %swap3A_192 = tpu.vector_load %arg5[%swap3A_190, %swap3A_191] {strides = array<i32>} : memref<32x1024xf32, #tpu.memory_space<vmem>>, vector<16xf32>,
      tpu.vector_store %arg5[%swap3A_190, %swap3A_191], %broadcast_in_dim3A_3 {strides = array<i32>} : memref<32x1024xf32, #tpu.memory_space<vmem>>, vector<16xf32>,
      %swap3A_193 = arith.index_cast %scan3A_64 : i32 to index
      %swap3A_194 = arith.constant 688 : index
      %swap3A_195 = tpu.vector_load %arg5[%swap3A_193, %swap3A_194] {strides = array<i32>} : memref<32x1024xf32, #tpu.memory_space<vmem>>, vector<16xf32>,
      tpu.vector_store %arg5[%swap3A_193, %swap3A_194], %broadcast_in_dim3A_3 {strides = array<i32>} : memref<32x1024xf32, #tpu.memory_space<vmem>>, vector<16xf32>,
      %swap3A_196 = arith.index_cast %scan3A_64 : i32 to index
      %swap3A_197 = arith.constant 704 : index
      %swap3A_198 = tpu.vector_load %arg5[%swap3A_196, %swap3A_197] {strides = array<i32>} : memref<32x1024xf32, #tpu.memory_space<vmem>>, vector<16xf32>,
      tpu.vector_store %arg5[%swap3A_196, %swap3A_197], %broadcast_in_dim3A_3 {strides = array<i32>} : memref<32x1024xf32, #tpu.memory_space<vmem>>, vector<16xf32>,
      %swap3A_199 = arith.index_cast %scan3A_64 : i32 to index
      %swap3A_200 = arith.constant 720 : index
      %swap3A_201 = tpu.vector_load %arg5[%swap3A_199, %swap3A_200] {strides = array<i32>} : memref<32x1024xf32, #tpu.memory_space<vmem>>, vector<16xf32>,
      tpu.vector_store %arg5[%swap3A_199, %swap3A_200], %broadcast_in_dim3A_3 {strides = array<i32>} : memref<32x1024xf32, #tpu.memory_space<vmem>>, vector<16xf32>,
      %swap3A_202 = arith.index_cast %scan3A_64 : i32 to index
      %swap3A_203 = arith.constant 736 : index
      %swap3A_204 = tpu.vector_load %arg5[%swap3A_202, %swap3A_203] {strides = array<i32>} : memref<32x1024xf32, #tpu.memory_space<vmem>>, vector<16xf32>,
      tpu.vector_store %arg5[%swap3A_202, %swap3A_203], %broadcast_in_dim3A_3 {strides = array<i32>} : memref<32x1024xf32, #tpu.memory_space<vmem>>, vector<16xf32>,
      %swap3A_205 = arith.index_cast %scan3A_64 : i32 to index
      %swap3A_206 = arith.constant 752 : index
      %swap3A_207 = tpu.vector_load %arg5[%swap3A_205, %swap3A_206] {strides = array<i32>} : memref<32x1024xf32, #tpu.memory_space<vmem>>, vector<16xf32>,
      tpu.vector_store %arg5[%swap3A_205, %swap3A_206], %broadcast_in_dim3A_3 {strides = array<i32>} : memref<32x1024xf32, #tpu.memory_space<vmem>>, vector<16xf32>,
      %swap3A_208 = arith.index_cast %scan3A_64 : i32 to index
      %swap3A_209 = arith.constant 768 : index
      %swap3A_210 = tpu.vector_load %arg5[%swap3A_208, %swap3A_209] {strides = array<i32>} : memref<32x1024xf32, #tpu.memory_space<vmem>>, vector<16xf32>,
      tpu.vector_store %arg5[%swap3A_208, %swap3A_209], %broadcast_in_dim3A_3 {strides = array<i32>} : memref<32x1024xf32, #tpu.memory_space<vmem>>, vector<16xf32>,
      %swap3A_211 = arith.index_cast %scan3A_64 : i32 to index
      %swap3A_212 = arith.constant 784 : index
      %swap3A_213 = tpu.vector_load %arg5[%swap3A_211, %swap3A_212] {strides = array<i32>} : memref<32x1024xf32, #tpu.memory_space<vmem>>, vector<16xf32>,
      tpu.vector_store %arg5[%swap3A_211, %swap3A_212], %broadcast_in_dim3A_3 {strides = array<i32>} : memref<32x1024xf32, #tpu.memory_space<vmem>>, vector<16xf32>,
      %swap3A_214 = arith.index_cast %scan3A_64 : i32 to index
      %swap3A_215 = arith.constant 800 : index
      %swap3A_216 = tpu.vector_load %arg5[%swap3A_214, %swap3A_215] {strides = array<i32>} : memref<32x1024xf32, #tpu.memory_space<vmem>>, vector<16xf32>,
      tpu.vector_store %arg5[%swap3A_214, %swap3A_215], %broadcast_in_dim3A_3 {strides = array<i32>} : memref<32x1024xf32, #tpu.memory_space<vmem>>, vector<16xf32>,
      %swap3A_217 = arith.index_cast %scan3A_64 : i32 to index
      %swap3A_218 = arith.constant 816 : index
      %swap3A_219 = tpu.vector_load %arg5[%swap3A_217, %swap3A_218] {strides = array<i32>} : memref<32x1024xf32, #tpu.memory_space<vmem>>, vector<16xf32>,
      tpu.vector_store %arg5[%swap3A_217, %swap3A_218], %broadcast_in_dim3A_3 {strides = array<i32>} : memref<32x1024xf32, #tpu.memory_space<vmem>>, vector<16xf32>,
      %swap3A_220 = arith.index_cast %scan3A_64 : i32 to index
      %swap3A_221 = arith.constant 832 : index
      %swap3A_222 = tpu.vector_load %arg5[%swap3A_220, %swap3A_221] {strides = array<i32>} : memref<32x1024xf32, #tpu.memory_space<vmem>>, vector<16xf32>,
      tpu.vector_store %arg5[%swap3A_220, %swap3A_221], %broadcast_in_dim3A_3 {strides = array<i32>} : memref<32x1024xf32, #tpu.memory_space<vmem>>, vector<16xf32>,
      %swap3A_223 = arith.index_cast %scan3A_64 : i32 to index
      %swap3A_224 = arith.constant 848 : index
      %swap3A_225 = tpu.vector_load %arg5[%swap3A_223, %swap3A_224] {strides = array<i32>} : memref<32x1024xf32, #tpu.memory_space<vmem>>, vector<16xf32>,
      tpu.vector_store %arg5[%swap3A_223, %swap3A_224], %broadcast_in_dim3A_3 {strides = array<i32>} : memref<32x1024xf32, #tpu.memory_space<vmem>>, vector<16xf32>,
      %swap3A_226 = arith.index_cast %scan3A_64 : i32 to index
      %swap3A_227 = arith.constant 864 : index
      %swap3A_228 = tpu.vector_load %arg5[%swap3A_226, %swap3A_227] {strides = array<i32>} : memref<32x1024xf32, #tpu.memory_space<vmem>>, vector<16xf32>,
      tpu.vector_store %arg5[%swap3A_226, %swap3A_227], %broadcast_in_dim3A_3 {strides = array<i32>} : memref<32x1024xf32, #tpu.memory_space<vmem>>, vector<16xf32>,
      %swap3A_229 = arith.index_cast %scan3A_64 : i32 to index
      %swap3A_230 = arith.constant 880 : index
      %swap3A_231 = tpu.vector_load %arg5[%swap3A_229, %swap3A_230] {strides = array<i32>} : memref<32x1024xf32, #tpu.memory_space<vmem>>, vector<16xf32>,
      tpu.vector_store %arg5[%swap3A_229, %swap3A_230], %broadcast_in_dim3A_3 {strides = array<i32>} : memref<32x1024xf32, #tpu.memory_space<vmem>>, vector<16xf32>,
      %swap3A_232 = arith.index_cast %scan3A_64 : i32 to index
      %swap3A_233 = arith.constant 896 : index
      %swap3A_234 = tpu.vector_load %arg5[%swap3A_232, %swap3A_233] {strides = array<i32>} : memref<32x1024xf32, #tpu.memory_space<vmem>>, vector<16xf32>,
      tpu.vector_store %arg5[%swap3A_232, %swap3A_233], %broadcast_in_dim3A_3 {strides = array<i32>} : memref<32x1024xf32, #tpu.memory_space<vmem>>, vector<16xf32>,
      %swap3A_235 = arith.index_cast %scan3A_64 : i32 to index
      %swap3A_236 = arith.constant 912 : index
      %swap3A_237 = tpu.vector_load %arg5[%swap3A_235, %swap3A_236] {strides = array<i32>} : memref<32x1024xf32, #tpu.memory_space<vmem>>, vector<16xf32>,
      tpu.vector_store %arg5[%swap3A_235, %swap3A_236], %broadcast_in_dim3A_3 {strides = array<i32>} : memref<32x1024xf32, #tpu.memory_space<vmem>>, vector<16xf32>,
      %swap3A_238 = arith.index_cast %scan3A_64 : i32 to index
      %swap3A_239 = arith.constant 928 : index
      %swap3A_240 = tpu.vector_load %arg5[%swap3A_238, %swap3A_239] {strides = array<i32>} : memref<32x1024xf32, #tpu.memory_space<vmem>>, vector<16xf32>,
      tpu.vector_store %arg5[%swap3A_238, %swap3A_239], %broadcast_in_dim3A_3 {strides = array<i32>} : memref<32x1024xf32, #tpu.memory_space<vmem>>, vector<16xf32>,
      %swap3A_241 = arith.index_cast %scan3A_64 : i32 to index
      %swap3A_242 = arith.constant 944 : index
      %swap3A_243 = tpu.vector_load %arg5[%swap3A_241, %swap3A_242] {strides = array<i32>} : memref<32x1024xf32, #tpu.memory_space<vmem>>, vector<16xf32>,
      tpu.vector_store %arg5[%swap3A_241, %swap3A_242], %broadcast_in_dim3A_3 {strides = array<i32>} : memref<32x1024xf32, #tpu.memory_space<vmem>>, vector<16xf32>,
      %swap3A_244 = arith.index_cast %scan3A_64 : i32 to index
      %swap3A_245 = arith.constant 960 : index
      %swap3A_246 = tpu.vector_load %arg5[%swap3A_244, %swap3A_245] {strides = array<i32>} : memref<32x1024xf32, #tpu.memory_space<vmem>>, vector<16xf32>,
      tpu.vector_store %arg5[%swap3A_244, %swap3A_245], %broadcast_in_dim3A_3 {strides = array<i32>} : memref<32x1024xf32, #tpu.memory_space<vmem>>, vector<16xf32>,
      %swap3A_247 = arith.index_cast %scan3A_64 : i32 to index
      %swap3A_248 = arith.constant 976 : index
      %swap3A_249 = tpu.vector_load %arg5[%swap3A_247, %swap3A_248] {strides = array<i32>} : memref<32x1024xf32, #tpu.memory_space<vmem>>, vector<16xf32>,
      tpu.vector_store %arg5[%swap3A_247, %swap3A_248], %broadcast_in_dim3A_3 {strides = array<i32>} : memref<32x1024xf32, #tpu.memory_space<vmem>>, vector<16xf32>,
      %swap3A_250 = arith.index_cast %scan3A_64 : i32 to index
      %swap3A_251 = arith.constant 992 : index
      %swap3A_252 = tpu.vector_load %arg5[%swap3A_250, %swap3A_251] {strides = array<i32>} : memref<32x1024xf32, #tpu.memory_space<vmem>>, vector<16xf32>,
      tpu.vector_store %arg5[%swap3A_250, %swap3A_251], %broadcast_in_dim3A_3 {strides = array<i32>} : memref<32x1024xf32, #tpu.memory_space<vmem>>, vector<16xf32>,
      %swap3A_253 = arith.index_cast %scan3A_64 : i32 to index
      %swap3A_254 = arith.constant 1008 : index
      %swap3A_255 = tpu.vector_load %arg5[%swap3A_253, %swap3A_254] {strides = array<i32>} : memref<32x1024xf32, #tpu.memory_space<vmem>>, vector<16xf32>,
      tpu.vector_store %arg5[%swap3A_253, %swap3A_254], %broadcast_in_dim3A_3 {strides = array<i32>} : memref<32x1024xf32, #tpu.memory_space<vmem>>, vector<16xf32>,
    }
    %scan3A_10 = arith.constant 32 : i32
    %scan3A_11 = arith.constant 0 : i32
    %scan3A_12 = arith.constant 0 : i32
    %scan3A_13 = arith.constant 32 : i32
    %scan3A_14 = arith.addi %scan3A_12, %scan3A_13 : i32
    %scan3A_15 = arith.constant 1 : i32
    scf.for %scan3A_64 = %scan3A_12 to %scan3A_14 step %scan3A_15  : i32 {
      %swap3A = arith.index_cast %scan3A_64 : i32 to index
      %swap3A_65 = arith.constant 0 : index
      %swap3A_66 = tpu.vector_load %arg6[%swap3A, %swap3A_65] {strides = array<i32>} : memref<32x1024xf32, #tpu.memory_space<vmem>>, vector<16xf32>,
      tpu.vector_store %arg6[%swap3A, %swap3A_65], %broadcast_in_dim3A_3 {strides = array<i32>} : memref<32x1024xf32, #tpu.memory_space<vmem>>, vector<16xf32>,
      %swap3A_67 = arith.index_cast %scan3A_64 : i32 to index
      %swap3A_68 = arith.constant 16 : index
      %swap3A_69 = tpu.vector_load %arg6[%swap3A_67, %swap3A_68] {strides = array<i32>} : memref<32x1024xf32, #tpu.memory_space<vmem>>, vector<16xf32>,
      tpu.vector_store %arg6[%swap3A_67, %swap3A_68], %broadcast_in_dim3A_3 {strides = array<i32>} : memref<32x1024xf32, #tpu.memory_space<vmem>>, vector<16xf32>,
      %swap3A_70 = arith.index_cast %scan3A_64 : i32 to index
      %swap3A_71 = arith.constant 32 : index
      %swap3A_72 = tpu.vector_load %arg6[%swap3A_70, %swap3A_71] {strides = array<i32>} : memref<32x1024xf32, #tpu.memory_space<vmem>>, vector<16xf32>,
      tpu.vector_store %arg6[%swap3A_70, %swap3A_71], %broadcast_in_dim3A_3 {strides = array<i32>} : memref<32x1024xf32, #tpu.memory_space<vmem>>, vector<16xf32>,
      %swap3A_73 = arith.index_cast %scan3A_64 : i32 to index
      %swap3A_74 = arith.constant 48 : index
      %swap3A_75 = tpu.vector_load %arg6[%swap3A_73, %swap3A_74] {strides = array<i32>} : memref<32x1024xf32, #tpu.memory_space<vmem>>, vector<16xf32>,
      tpu.vector_store %arg6[%swap3A_73, %swap3A_74], %broadcast_in_dim3A_3 {strides = array<i32>} : memref<32x1024xf32, #tpu.memory_space<vmem>>, vector<16xf32>,
      %swap3A_76 = arith.index_cast %scan3A_64 : i32 to index
      %swap3A_77 = arith.constant 64 : index
      %swap3A_78 = tpu.vector_load %arg6[%swap3A_76, %swap3A_77] {strides = array<i32>} : memref<32x1024xf32, #tpu.memory_space<vmem>>, vector<16xf32>,
      tpu.vector_store %arg6[%swap3A_76, %swap3A_77], %broadcast_in_dim3A_3 {strides = array<i32>} : memref<32x1024xf32, #tpu.memory_space<vmem>>, vector<16xf32>,
      %swap3A_79 = arith.index_cast %scan3A_64 : i32 to index
      %swap3A_80 = arith.constant 80 : index
      %swap3A_81 = tpu.vector_load %arg6[%swap3A_79, %swap3A_80] {strides = array<i32>} : memref<32x1024xf32, #tpu.memory_space<vmem>>, vector<16xf32>,
      tpu.vector_store %arg6[%swap3A_79, %swap3A_80], %broadcast_in_dim3A_3 {strides = array<i32>} : memref<32x1024xf32, #tpu.memory_space<vmem>>, vector<16xf32>,
      %swap3A_82 = arith.index_cast %scan3A_64 : i32 to index
      %swap3A_83 = arith.constant 96 : index
      %swap3A_84 = tpu.vector_load %arg6[%swap3A_82, %swap3A_83] {strides = array<i32>} : memref<32x1024xf32, #tpu.memory_space<vmem>>, vector<16xf32>,
      tpu.vector_store %arg6[%swap3A_82, %swap3A_83], %broadcast_in_dim3A_3 {strides = array<i32>} : memref<32x1024xf32, #tpu.memory_space<vmem>>, vector<16xf32>,
      %swap3A_85 = arith.index_cast %scan3A_64 : i32 to index
      %swap3A_86 = arith.constant 112 : index
      %swap3A_87 = tpu.vector_load %arg6[%swap3A_85, %swap3A_86] {strides = array<i32>} : memref<32x1024xf32, #tpu.memory_space<vmem>>, vector<16xf32>,
      tpu.vector_store %arg6[%swap3A_85, %swap3A_86], %broadcast_in_dim3A_3 {strides = array<i32>} : memref<32x1024xf32, #tpu.memory_space<vmem>>, vector<16xf32>,
      %swap3A_88 = arith.index_cast %scan3A_64 : i32 to index
      %swap3A_89 = arith.constant 128 : index
      %swap3A_90 = tpu.vector_load %arg6[%swap3A_88, %swap3A_89] {strides = array<i32>} : memref<32x1024xf32, #tpu.memory_space<vmem>>, vector<16xf32>,
      tpu.vector_store %arg6[%swap3A_88, %swap3A_89], %broadcast_in_dim3A_3 {strides = array<i32>} : memref<32x1024xf32, #tpu.memory_space<vmem>>, vector<16xf32>,
      %swap3A_91 = arith.index_cast %scan3A_64 : i32 to index
      %swap3A_92 = arith.constant 144 : index
      %swap3A_93 = tpu.vector_load %arg6[%swap3A_91, %swap3A_92] {strides = array<i32>} : memref<32x1024xf32, #tpu.memory_space<vmem>>, vector<16xf32>,
      tpu.vector_store %arg6[%swap3A_91, %swap3A_92], %broadcast_in_dim3A_3 {strides = array<i32>} : memref<32x1024xf32, #tpu.memory_space<vmem>>, vector<16xf32>,
      %swap3A_94 = arith.index_cast %scan3A_64 : i32 to index
      %swap3A_95 = arith.constant 160 : index
      %swap3A_96 = tpu.vector_load %arg6[%swap3A_94, %swap3A_95] {strides = array<i32>} : memref<32x1024xf32, #tpu.memory_space<vmem>>, vector<16xf32>,
      tpu.vector_store %arg6[%swap3A_94, %swap3A_95], %broadcast_in_dim3A_3 {strides = array<i32>} : memref<32x1024xf32, #tpu.memory_space<vmem>>, vector<16xf32>,
      %swap3A_97 = arith.index_cast %scan3A_64 : i32 to index
      %swap3A_98 = arith.constant 176 : index
      %swap3A_99 = tpu.vector_load %arg6[%swap3A_97, %swap3A_98] {strides = array<i32>} : memref<32x1024xf32, #tpu.memory_space<vmem>>, vector<16xf32>,
      tpu.vector_store %arg6[%swap3A_97, %swap3A_98], %broadcast_in_dim3A_3 {strides = array<i32>} : memref<32x1024xf32, #tpu.memory_space<vmem>>, vector<16xf32>,
      %swap3A_100 = arith.index_cast %scan3A_64 : i32 to index
      %swap3A_101 = arith.constant 192 : index
      %swap3A_102 = tpu.vector_load %arg6[%swap3A_100, %swap3A_101] {strides = array<i32>} : memref<32x1024xf32, #tpu.memory_space<vmem>>, vector<16xf32>,
      tpu.vector_store %arg6[%swap3A_100, %swap3A_101], %broadcast_in_dim3A_3 {strides = array<i32>} : memref<32x1024xf32, #tpu.memory_space<vmem>>, vector<16xf32>,
      %swap3A_103 = arith.index_cast %scan3A_64 : i32 to index
      %swap3A_104 = arith.constant 208 : index
      %swap3A_105 = tpu.vector_load %arg6[%swap3A_103, %swap3A_104] {strides = array<i32>} : memref<32x1024xf32, #tpu.memory_space<vmem>>, vector<16xf32>,
      tpu.vector_store %arg6[%swap3A_103, %swap3A_104], %broadcast_in_dim3A_3 {strides = array<i32>} : memref<32x1024xf32, #tpu.memory_space<vmem>>, vector<16xf32>,
      %swap3A_106 = arith.index_cast %scan3A_64 : i32 to index
      %swap3A_107 = arith.constant 224 : index
      %swap3A_108 = tpu.vector_load %arg6[%swap3A_106, %swap3A_107] {strides = array<i32>} : memref<32x1024xf32, #tpu.memory_space<vmem>>, vector<16xf32>,
      tpu.vector_store %arg6[%swap3A_106, %swap3A_107], %broadcast_in_dim3A_3 {strides = array<i32>} : memref<32x1024xf32, #tpu.memory_space<vmem>>, vector<16xf32>,
      %swap3A_109 = arith.index_cast %scan3A_64 : i32 to index
      %swap3A_110 = arith.constant 240 : index
      %swap3A_111 = tpu.vector_load %arg6[%swap3A_109, %swap3A_110] {strides = array<i32>} : memref<32x1024xf32, #tpu.memory_space<vmem>>, vector<16xf32>,
      tpu.vector_store %arg6[%swap3A_109, %swap3A_110], %broadcast_in_dim3A_3 {strides = array<i32>} : memref<32x1024xf32, #tpu.memory_space<vmem>>, vector<16xf32>,
      %swap3A_112 = arith.index_cast %scan3A_64 : i32 to index
      %swap3A_113 = arith.constant 256 : index
      %swap3A_114 = tpu.vector_load %arg6[%swap3A_112, %swap3A_113] {strides = array<i32>} : memref<32x1024xf32, #tpu.memory_space<vmem>>, vector<16xf32>,
      tpu.vector_store %arg6[%swap3A_112, %swap3A_113], %broadcast_in_dim3A_3 {strides = array<i32>} : memref<32x1024xf32, #tpu.memory_space<vmem>>, vector<16xf32>,
      %swap3A_115 = arith.index_cast %scan3A_64 : i32 to index
      %swap3A_116 = arith.constant 272 : index
      %swap3A_117 = tpu.vector_load %arg6[%swap3A_115, %swap3A_116] {strides = array<i32>} : memref<32x1024xf32, #tpu.memory_space<vmem>>, vector<16xf32>,
      tpu.vector_store %arg6[%swap3A_115, %swap3A_116], %broadcast_in_dim3A_3 {strides = array<i32>} : memref<32x1024xf32, #tpu.memory_space<vmem>>, vector<16xf32>,
      %swap3A_118 = arith.index_cast %scan3A_64 : i32 to index
      %swap3A_119 = arith.constant 288 : index
      %swap3A_120 = tpu.vector_load %arg6[%swap3A_118, %swap3A_119] {strides = array<i32>} : memref<32x1024xf32, #tpu.memory_space<vmem>>, vector<16xf32>,
      tpu.vector_store %arg6[%swap3A_118, %swap3A_119], %broadcast_in_dim3A_3 {strides = array<i32>} : memref<32x1024xf32, #tpu.memory_space<vmem>>, vector<16xf32>,
      %swap3A_121 = arith.index_cast %scan3A_64 : i32 to index
      %swap3A_122 = arith.constant 304 : index
      %swap3A_123 = tpu.vector_load %arg6[%swap3A_121, %swap3A_122] {strides = array<i32>} : memref<32x1024xf32, #tpu.memory_space<vmem>>, vector<16xf32>,
      tpu.vector_store %arg6[%swap3A_121, %swap3A_122], %broadcast_in_dim3A_3 {strides = array<i32>} : memref<32x1024xf32, #tpu.memory_space<vmem>>, vector<16xf32>,
      %swap3A_124 = arith.index_cast %scan3A_64 : i32 to index
      %swap3A_125 = arith.constant 320 : index
      %swap3A_126 = tpu.vector_load %arg6[%swap3A_124, %swap3A_125] {strides = array<i32>} : memref<32x1024xf32, #tpu.memory_space<vmem>>, vector<16xf32>,
      tpu.vector_store %arg6[%swap3A_124, %swap3A_125], %broadcast_in_dim3A_3 {strides = array<i32>} : memref<32x1024xf32, #tpu.memory_space<vmem>>, vector<16xf32>,
      %swap3A_127 = arith.index_cast %scan3A_64 : i32 to index
      %swap3A_128 = arith.constant 336 : index
      %swap3A_129 = tpu.vector_load %arg6[%swap3A_127, %swap3A_128] {strides = array<i32>} : memref<32x1024xf32, #tpu.memory_space<vmem>>, vector<16xf32>,
      tpu.vector_store %arg6[%swap3A_127, %swap3A_128], %broadcast_in_dim3A_3 {strides = array<i32>} : memref<32x1024xf32, #tpu.memory_space<vmem>>, vector<16xf32>,
      %swap3A_130 = arith.index_cast %scan3A_64 : i32 to index
      %swap3A_131 = arith.constant 352 : index
      %swap3A_132 = tpu.vector_load %arg6[%swap3A_130, %swap3A_131] {strides = array<i32>} : memref<32x1024xf32, #tpu.memory_space<vmem>>, vector<16xf32>,
      tpu.vector_store %arg6[%swap3A_130, %swap3A_131], %broadcast_in_dim3A_3 {strides = array<i32>} : memref<32x1024xf32, #tpu.memory_space<vmem>>, vector<16xf32>,
      %swap3A_133 = arith.index_cast %scan3A_64 : i32 to index
      %swap3A_134 = arith.constant 368 : index
      %swap3A_135 = tpu.vector_load %arg6[%swap3A_133, %swap3A_134] {strides = array<i32>} : memref<32x1024xf32, #tpu.memory_space<vmem>>, vector<16xf32>,
      tpu.vector_store %arg6[%swap3A_133, %swap3A_134], %broadcast_in_dim3A_3 {strides = array<i32>} : memref<32x1024xf32, #tpu.memory_space<vmem>>, vector<16xf32>,
      %swap3A_136 = arith.index_cast %scan3A_64 : i32 to index
      %swap3A_137 = arith.constant 384 : index
      %swap3A_138 = tpu.vector_load %arg6[%swap3A_136, %swap3A_137] {strides = array<i32>} : memref<32x1024xf32, #tpu.memory_space<vmem>>, vector<16xf32>,
      tpu.vector_store %arg6[%swap3A_136, %swap3A_137], %broadcast_in_dim3A_3 {strides = array<i32>} : memref<32x1024xf32, #tpu.memory_space<vmem>>, vector<16xf32>,
      %swap3A_139 = arith.index_cast %scan3A_64 : i32 to index
      %swap3A_140 = arith.constant 400 : index
      %swap3A_141 = tpu.vector_load %arg6[%swap3A_139, %swap3A_140] {strides = array<i32>} : memref<32x1024xf32, #tpu.memory_space<vmem>>, vector<16xf32>,
      tpu.vector_store %arg6[%swap3A_139, %swap3A_140], %broadcast_in_dim3A_3 {strides = array<i32>} : memref<32x1024xf32, #tpu.memory_space<vmem>>, vector<16xf32>,
      %swap3A_142 = arith.index_cast %scan3A_64 : i32 to index
      %swap3A_143 = arith.constant 416 : index
      %swap3A_144 = tpu.vector_load %arg6[%swap3A_142, %swap3A_143] {strides = array<i32>} : memref<32x1024xf32, #tpu.memory_space<vmem>>, vector<16xf32>,
      tpu.vector_store %arg6[%swap3A_142, %swap3A_143], %broadcast_in_dim3A_3 {strides = array<i32>} : memref<32x1024xf32, #tpu.memory_space<vmem>>, vector<16xf32>,
      %swap3A_145 = arith.index_cast %scan3A_64 : i32 to index
      %swap3A_146 = arith.constant 432 : index
      %swap3A_147 = tpu.vector_load %arg6[%swap3A_145, %swap3A_146] {strides = array<i32>} : memref<32x1024xf32, #tpu.memory_space<vmem>>, vector<16xf32>,
      tpu.vector_store %arg6[%swap3A_145, %swap3A_146], %broadcast_in_dim3A_3 {strides = array<i32>} : memref<32x1024xf32, #tpu.memory_space<vmem>>, vector<16xf32>,
      %swap3A_148 = arith.index_cast %scan3A_64 : i32 to index
      %swap3A_149 = arith.constant 448 : index
      %swap3A_150 = tpu.vector_load %arg6[%swap3A_148, %swap3A_149] {strides = array<i32>} : memref<32x1024xf32, #tpu.memory_space<vmem>>, vector<16xf32>,
      tpu.vector_store %arg6[%swap3A_148, %swap3A_149], %broadcast_in_dim3A_3 {strides = array<i32>} : memref<32x1024xf32, #tpu.memory_space<vmem>>, vector<16xf32>,
      %swap3A_151 = arith.index_cast %scan3A_64 : i32 to index
      %swap3A_152 = arith.constant 464 : index
      %swap3A_153 = tpu.vector_load %arg6[%swap3A_151, %swap3A_152] {strides = array<i32>} : memref<32x1024xf32, #tpu.memory_space<vmem>>, vector<16xf32>,
      tpu.vector_store %arg6[%swap3A_151, %swap3A_152], %broadcast_in_dim3A_3 {strides = array<i32>} : memref<32x1024xf32, #tpu.memory_space<vmem>>, vector<16xf32>,
      %swap3A_154 = arith.index_cast %scan3A_64 : i32 to index
      %swap3A_155 = arith.constant 480 : index
      %swap3A_156 = tpu.vector_load %arg6[%swap3A_154, %swap3A_155] {strides = array<i32>} : memref<32x1024xf32, #tpu.memory_space<vmem>>, vector<16xf32>,
      tpu.vector_store %arg6[%swap3A_154, %swap3A_155], %broadcast_in_dim3A_3 {strides = array<i32>} : memref<32x1024xf32, #tpu.memory_space<vmem>>, vector<16xf32>,
      %swap3A_157 = arith.index_cast %scan3A_64 : i32 to index
      %swap3A_158 = arith.constant 496 : index
      %swap3A_159 = tpu.vector_load %arg6[%swap3A_157, %swap3A_158] {strides = array<i32>} : memref<32x1024xf32, #tpu.memory_space<vmem>>, vector<16xf32>,
      tpu.vector_store %arg6[%swap3A_157, %swap3A_158], %broadcast_in_dim3A_3 {strides = array<i32>} : memref<32x1024xf32, #tpu.memory_space<vmem>>, vector<16xf32>,
      %swap3A_160 = arith.index_cast %scan3A_64 : i32 to index
      %swap3A_161 = arith.constant 512 : index
      %swap3A_162 = tpu.vector_load %arg6[%swap3A_160, %swap3A_161] {strides = array<i32>} : memref<32x1024xf32, #tpu.memory_space<vmem>>, vector<16xf32>,
      tpu.vector_store %arg6[%swap3A_160, %swap3A_161], %broadcast_in_dim3A_3 {strides = array<i32>} : memref<32x1024xf32, #tpu.memory_space<vmem>>, vector<16xf32>,
      %swap3A_163 = arith.index_cast %scan3A_64 : i32 to index
      %swap3A_164 = arith.constant 528 : index
      %swap3A_165 = tpu.vector_load %arg6[%swap3A_163, %swap3A_164] {strides = array<i32>} : memref<32x1024xf32, #tpu.memory_space<vmem>>, vector<16xf32>,
      tpu.vector_store %arg6[%swap3A_163, %swap3A_164], %broadcast_in_dim3A_3 {strides = array<i32>} : memref<32x1024xf32, #tpu.memory_space<vmem>>, vector<16xf32>,
      %swap3A_166 = arith.index_cast %scan3A_64 : i32 to index
      %swap3A_167 = arith.constant 544 : index
      %swap3A_168 = tpu.vector_load %arg6[%swap3A_166, %swap3A_167] {strides = array<i32>} : memref<32x1024xf32, #tpu.memory_space<vmem>>, vector<16xf32>,
      tpu.vector_store %arg6[%swap3A_166, %swap3A_167], %broadcast_in_dim3A_3 {strides = array<i32>} : memref<32x1024xf32, #tpu.memory_space<vmem>>, vector<16xf32>,
      %swap3A_169 = arith.index_cast %scan3A_64 : i32 to index
      %swap3A_170 = arith.constant 560 : index
      %swap3A_171 = tpu.vector_load %arg6[%swap3A_169, %swap3A_170] {strides = array<i32>} : memref<32x1024xf32, #tpu.memory_space<vmem>>, vector<16xf32>,
      tpu.vector_store %arg6[%swap3A_169, %swap3A_170], %broadcast_in_dim3A_3 {strides = array<i32>} : memref<32x1024xf32, #tpu.memory_space<vmem>>, vector<16xf32>,
      %swap3A_172 = arith.index_cast %scan3A_64 : i32 to index
      %swap3A_173 = arith.constant 576 : index
      %swap3A_174 = tpu.vector_load %arg6[%swap3A_172, %swap3A_173] {strides = array<i32>} : memref<32x1024xf32, #tpu.memory_space<vmem>>, vector<16xf32>,
      tpu.vector_store %arg6[%swap3A_172, %swap3A_173], %broadcast_in_dim3A_3 {strides = array<i32>} : memref<32x1024xf32, #tpu.memory_space<vmem>>, vector<16xf32>,
      %swap3A_175 = arith.index_cast %scan3A_64 : i32 to index
      %swap3A_176 = arith.constant 592 : index
      %swap3A_177 = tpu.vector_load %arg6[%swap3A_175, %swap3A_176] {strides = array<i32>} : memref<32x1024xf32, #tpu.memory_space<vmem>>, vector<16xf32>,
      tpu.vector_store %arg6[%swap3A_175, %swap3A_176], %broadcast_in_dim3A_3 {strides = array<i32>} : memref<32x1024xf32, #tpu.memory_space<vmem>>, vector<16xf32>,
      %swap3A_178 = arith.index_cast %scan3A_64 : i32 to index
      %swap3A_179 = arith.constant 608 : index
      %swap3A_180 = tpu.vector_load %arg6[%swap3A_178, %swap3A_179] {strides = array<i32>} : memref<32x1024xf32, #tpu.memory_space<vmem>>, vector<16xf32>,
      tpu.vector_store %arg6[%swap3A_178, %swap3A_179], %broadcast_in_dim3A_3 {strides = array<i32>} : memref<32x1024xf32, #tpu.memory_space<vmem>>, vector<16xf32>,
      %swap3A_181 = arith.index_cast %scan3A_64 : i32 to index
      %swap3A_182 = arith.constant 624 : index
      %swap3A_183 = tpu.vector_load %arg6[%swap3A_181, %swap3A_182] {strides = array<i32>} : memref<32x1024xf32, #tpu.memory_space<vmem>>, vector<16xf32>,
      tpu.vector_store %arg6[%swap3A_181, %swap3A_182], %broadcast_in_dim3A_3 {strides = array<i32>} : memref<32x1024xf32, #tpu.memory_space<vmem>>, vector<16xf32>,
      %swap3A_184 = arith.index_cast %scan3A_64 : i32 to index
      %swap3A_185 = arith.constant 640 : index
      %swap3A_186 = tpu.vector_load %arg6[%swap3A_184, %swap3A_185] {strides = array<i32>} : memref<32x1024xf32, #tpu.memory_space<vmem>>, vector<16xf32>,
      tpu.vector_store %arg6[%swap3A_184, %swap3A_185], %broadcast_in_dim3A_3 {strides = array<i32>} : memref<32x1024xf32, #tpu.memory_space<vmem>>, vector<16xf32>,
      %swap3A_187 = arith.index_cast %scan3A_64 : i32 to index
      %swap3A_188 = arith.constant 656 : index
      %swap3A_189 = tpu.vector_load %arg6[%swap3A_187, %swap3A_188] {strides = array<i32>} : memref<32x1024xf32, #tpu.memory_space<vmem>>, vector<16xf32>,
      tpu.vector_store %arg6[%swap3A_187, %swap3A_188], %broadcast_in_dim3A_3 {strides = array<i32>} : memref<32x1024xf32, #tpu.memory_space<vmem>>, vector<16xf32>,
      %swap3A_190 = arith.index_cast %scan3A_64 : i32 to index
      %swap3A_191 = arith.constant 672 : index
      %swap3A_192 = tpu.vector_load %arg6[%swap3A_190, %swap3A_191] {strides = array<i32>} : memref<32x1024xf32, #tpu.memory_space<vmem>>, vector<16xf32>,
      tpu.vector_store %arg6[%swap3A_190, %swap3A_191], %broadcast_in_dim3A_3 {strides = array<i32>} : memref<32x1024xf32, #tpu.memory_space<vmem>>, vector<16xf32>,
      %swap3A_193 = arith.index_cast %scan3A_64 : i32 to index
      %swap3A_194 = arith.constant 688 : index
      %swap3A_195 = tpu.vector_load %arg6[%swap3A_193, %swap3A_194] {strides = array<i32>} : memref<32x1024xf32, #tpu.memory_space<vmem>>, vector<16xf32>,
      tpu.vector_store %arg6[%swap3A_193, %swap3A_194], %broadcast_in_dim3A_3 {strides = array<i32>} : memref<32x1024xf32, #tpu.memory_space<vmem>>, vector<16xf32>,
      %swap3A_196 = arith.index_cast %scan3A_64 : i32 to index
      %swap3A_197 = arith.constant 704 : index
      %swap3A_198 = tpu.vector_load %arg6[%swap3A_196, %swap3A_197] {strides = array<i32>} : memref<32x1024xf32, #tpu.memory_space<vmem>>, vector<16xf32>,
      tpu.vector_store %arg6[%swap3A_196, %swap3A_197], %broadcast_in_dim3A_3 {strides = array<i32>} : memref<32x1024xf32, #tpu.memory_space<vmem>>, vector<16xf32>,
      %swap3A_199 = arith.index_cast %scan3A_64 : i32 to index
      %swap3A_200 = arith.constant 720 : index
      %swap3A_201 = tpu.vector_load %arg6[%swap3A_199, %swap3A_200] {strides = array<i32>} : memref<32x1024xf32, #tpu.memory_space<vmem>>, vector<16xf32>,
      tpu.vector_store %arg6[%swap3A_199, %swap3A_200], %broadcast_in_dim3A_3 {strides = array<i32>} : memref<32x1024xf32, #tpu.memory_space<vmem>>, vector<16xf32>,
      %swap3A_202 = arith.index_cast %scan3A_64 : i32 to index
      %swap3A_203 = arith.constant 736 : index
      %swap3A_204 = tpu.vector_load %arg6[%swap3A_202, %swap3A_203] {strides = array<i32>} : memref<32x1024xf32, #tpu.memory_space<vmem>>, vector<16xf32>,
      tpu.vector_store %arg6[%swap3A_202, %swap3A_203], %broadcast_in_dim3A_3 {strides = array<i32>} : memref<32x1024xf32, #tpu.memory_space<vmem>>, vector<16xf32>,
      %swap3A_205 = arith.index_cast %scan3A_64 : i32 to index
      %swap3A_206 = arith.constant 752 : index
      %swap3A_207 = tpu.vector_load %arg6[%swap3A_205, %swap3A_206] {strides = array<i32>} : memref<32x1024xf32, #tpu.memory_space<vmem>>, vector<16xf32>,
      tpu.vector_store %arg6[%swap3A_205, %swap3A_206], %broadcast_in_dim3A_3 {strides = array<i32>} : memref<32x1024xf32, #tpu.memory_space<vmem>>, vector<16xf32>,
      %swap3A_208 = arith.index_cast %scan3A_64 : i32 to index
      %swap3A_209 = arith.constant 768 : index
      %swap3A_210 = tpu.vector_load %arg6[%swap3A_208, %swap3A_209] {strides = array<i32>} : memref<32x1024xf32, #tpu.memory_space<vmem>>, vector<16xf32>,
      tpu.vector_store %arg6[%swap3A_208, %swap3A_209], %broadcast_in_dim3A_3 {strides = array<i32>} : memref<32x1024xf32, #tpu.memory_space<vmem>>, vector<16xf32>,
      %swap3A_211 = arith.index_cast %scan3A_64 : i32 to index
      %swap3A_212 = arith.constant 784 : index
      %swap3A_213 = tpu.vector_load %arg6[%swap3A_211, %swap3A_212] {strides = array<i32>} : memref<32x1024xf32, #tpu.memory_space<vmem>>, vector<16xf32>,
      tpu.vector_store %arg6[%swap3A_211, %swap3A_212], %broadcast_in_dim3A_3 {strides = array<i32>} : memref<32x1024xf32, #tpu.memory_space<vmem>>, vector<16xf32>,
      %swap3A_214 = arith.index_cast %scan3A_64 : i32 to index
      %swap3A_215 = arith.constant 800 : index
      %swap3A_216 = tpu.vector_load %arg6[%swap3A_214, %swap3A_215] {strides = array<i32>} : memref<32x1024xf32, #tpu.memory_space<vmem>>, vector<16xf32>,
      tpu.vector_store %arg6[%swap3A_214, %swap3A_215], %broadcast_in_dim3A_3 {strides = array<i32>} : memref<32x1024xf32, #tpu.memory_space<vmem>>, vector<16xf32>,
      %swap3A_217 = arith.index_cast %scan3A_64 : i32 to index
      %swap3A_218 = arith.constant 816 : index
      %swap3A_219 = tpu.vector_load %arg6[%swap3A_217, %swap3A_218] {strides = array<i32>} : memref<32x1024xf32, #tpu.memory_space<vmem>>, vector<16xf32>,
      tpu.vector_store %arg6[%swap3A_217, %swap3A_218], %broadcast_in_dim3A_3 {strides = array<i32>} : memref<32x1024xf32, #tpu.memory_space<vmem>>, vector<16xf32>,
      %swap3A_220 = arith.index_cast %scan3A_64 : i32 to index
      %swap3A_221 = arith.constant 832 : index
      %swap3A_222 = tpu.vector_load %arg6[%swap3A_220, %swap3A_221] {strides = array<i32>} : memref<32x1024xf32, #tpu.memory_space<vmem>>, vector<16xf32>,
      tpu.vector_store %arg6[%swap3A_220, %swap3A_221], %broadcast_in_dim3A_3 {strides = array<i32>} : memref<32x1024xf32, #tpu.memory_space<vmem>>, vector<16xf32>,
      %swap3A_223 = arith.index_cast %scan3A_64 : i32 to index
      %swap3A_224 = arith.constant 848 : index
      %swap3A_225 = tpu.vector_load %arg6[%swap3A_223, %swap3A_224] {strides = array<i32>} : memref<32x1024xf32, #tpu.memory_space<vmem>>, vector<16xf32>,
      tpu.vector_store %arg6[%swap3A_223, %swap3A_224], %broadcast_in_dim3A_3 {strides = array<i32>} : memref<32x1024xf32, #tpu.memory_space<vmem>>, vector<16xf32>,
      %swap3A_226 = arith.index_cast %scan3A_64 : i32 to index
      %swap3A_227 = arith.constant 864 : index
      %swap3A_228 = tpu.vector_load %arg6[%swap3A_226, %swap3A_227] {strides = array<i32>} : memref<32x1024xf32, #tpu.memory_space<vmem>>, vector<16xf32>,
      tpu.vector_store %arg6[%swap3A_226, %swap3A_227], %broadcast_in_dim3A_3 {strides = array<i32>} : memref<32x1024xf32, #tpu.memory_space<vmem>>, vector<16xf32>,
      %swap3A_229 = arith.index_cast %scan3A_64 : i32 to index
      %swap3A_230 = arith.constant 880 : index
      %swap3A_231 = tpu.vector_load %arg6[%swap3A_229, %swap3A_230] {strides = array<i32>} : memref<32x1024xf32, #tpu.memory_space<vmem>>, vector<16xf32>,
      tpu.vector_store %arg6[%swap3A_229, %swap3A_230], %broadcast_in_dim3A_3 {strides = array<i32>} : memref<32x1024xf32, #tpu.memory_space<vmem>>, vector<16xf32>,
      %swap3A_232 = arith.index_cast %scan3A_64 : i32 to index
      %swap3A_233 = arith.constant 896 : index
      %swap3A_234 = tpu.vector_load %arg6[%swap3A_232, %swap3A_233] {strides = array<i32>} : memref<32x1024xf32, #tpu.memory_space<vmem>>, vector<16xf32>,
      tpu.vector_store %arg6[%swap3A_232, %swap3A_233], %broadcast_in_dim3A_3 {strides = array<i32>} : memref<32x1024xf32, #tpu.memory_space<vmem>>, vector<16xf32>,
      %swap3A_235 = arith.index_cast %scan3A_64 : i32 to index
      %swap3A_236 = arith.constant 912 : index
      %swap3A_237 = tpu.vector_load %arg6[%swap3A_235, %swap3A_236] {strides = array<i32>} : memref<32x1024xf32, #tpu.memory_space<vmem>>, vector<16xf32>,
      tpu.vector_store %arg6[%swap3A_235, %swap3A_236], %broadcast_in_dim3A_3 {strides = array<i32>} : memref<32x1024xf32, #tpu.memory_space<vmem>>, vector<16xf32>,
      %swap3A_238 = arith.index_cast %scan3A_64 : i32 to index
      %swap3A_239 = arith.constant 928 : index
      %swap3A_240 = tpu.vector_load %arg6[%swap3A_238, %swap3A_239] {strides = array<i32>} : memref<32x1024xf32, #tpu.memory_space<vmem>>, vector<16xf32>,
      tpu.vector_store %arg6[%swap3A_238, %swap3A_239], %broadcast_in_dim3A_3 {strides = array<i32>} : memref<32x1024xf32, #tpu.memory_space<vmem>>, vector<16xf32>,
      %swap3A_241 = arith.index_cast %scan3A_64 : i32 to index
      %swap3A_242 = arith.constant 944 : index
      %swap3A_243 = tpu.vector_load %arg6[%swap3A_241, %swap3A_242] {strides = array<i32>} : memref<32x1024xf32, #tpu.memory_space<vmem>>, vector<16xf32>,
      tpu.vector_store %arg6[%swap3A_241, %swap3A_242], %broadcast_in_dim3A_3 {strides = array<i32>} : memref<32x1024xf32, #tpu.memory_space<vmem>>, vector<16xf32>,
      %swap3A_244 = arith.index_cast %scan3A_64 : i32 to index
      %swap3A_245 = arith.constant 960 : index
      %swap3A_246 = tpu.vector_load %arg6[%swap3A_244, %swap3A_245] {strides = array<i32>} : memref<32x1024xf32, #tpu.memory_space<vmem>>, vector<16xf32>,
      tpu.vector_store %arg6[%swap3A_244, %swap3A_245], %broadcast_in_dim3A_3 {strides = array<i32>} : memref<32x1024xf32, #tpu.memory_space<vmem>>, vector<16xf32>,
      %swap3A_247 = arith.index_cast %scan3A_64 : i32 to index
      %swap3A_248 = arith.constant 976 : index
      %swap3A_249 = tpu.vector_load %arg6[%swap3A_247, %swap3A_248] {strides = array<i32>} : memref<32x1024xf32, #tpu.memory_space<vmem>>, vector<16xf32>,
      tpu.vector_store %arg6[%swap3A_247, %swap3A_248], %broadcast_in_dim3A_3 {strides = array<i32>} : memref<32x1024xf32, #tpu.memory_space<vmem>>, vector<16xf32>,
      %swap3A_250 = arith.index_cast %scan3A_64 : i32 to index
      %swap3A_251 = arith.constant 992 : index
      %swap3A_252 = tpu.vector_load %arg6[%swap3A_250, %swap3A_251] {strides = array<i32>} : memref<32x1024xf32, #tpu.memory_space<vmem>>, vector<16xf32>,
      tpu.vector_store %arg6[%swap3A_250, %swap3A_251], %broadcast_in_dim3A_3 {strides = array<i32>} : memref<32x1024xf32, #tpu.memory_space<vmem>>, vector<16xf32>,
      %swap3A_253 = arith.index_cast %scan3A_64 : i32 to index
      %swap3A_254 = arith.constant 1008 : index
      %swap3A_255 = tpu.vector_load %arg6[%swap3A_253, %swap3A_254] {strides = array<i32>} : memref<32x1024xf32, #tpu.memory_space<vmem>>, vector<16xf32>,
      tpu.vector_store %arg6[%swap3A_253, %swap3A_254], %broadcast_in_dim3A_3 {strides = array<i32>} : memref<32x1024xf32, #tpu.memory_space<vmem>>, vector<16xf32>,
    }
    %scan3A_16 = arith.constant 32 : i32
    %get3A = arith.constant 0 : index
    %get3A_17 = tpu.vector_load %arg4[%get3A] {strides = array<i32>} : memref<512xi32, #tpu.memory_space<vmem>>, vector<16xi32>,
    %add3A_18 = arith.constant 0 : i32
    %add3A_19 = vector.broadcast %add3A_18 : i32 to vector<16xi32>
    %add3A_20 = arith.addi %iota3A, %add3A_19 : vector<16xi32>
    tpu.vector_store_idx %arg5[%add3A_20, %get3A_17], %broadcast_in_dim3A_5 : memref<32x1024xf32, #tpu.memory_space<vmem>>[vector<16xi32>, vector<16xi32>], vector<16xf32>,
    %get3A_21 = arith.constant 16 : index
    %get3A_22 = tpu.vector_load %arg4[%get3A_21] {strides = array<i32>} : memref<512xi32, #tpu.memory_space<vmem>>, vector<16xi32>,
    %add3A_23 = arith.constant 16 : i32
    %add3A_24 = vector.broadcast %add3A_23 : i32 to vector<16xi32>
    %add3A_25 = arith.addi %iota3A, %add3A_24 : vector<16xi32>
    tpu.vector_store_idx %arg5[%add3A_25, %get3A_22], %broadcast_in_dim3A_5 : memref<32x1024xf32, #tpu.memory_space<vmem>>[vector<16xi32>, vector<16xi32>], vector<16xf32>,
    %add3A_26 = arith.constant 0 : i32
    %add3A_27 = arith.addi %mul3A_2, %add3A_26 : i32
    %dma_start3A = arith.constant 0 : i32
    %dma_start3A_28 = tpu.memref_slice %arg3[%add3A_27, %dma_start3A] : memref<16384x1024xf32, #tpu.memory_space<hbm>> -> memref<32x1024xf32, #tpu.memory_space<hbm>>
    %dma_start3A_29 = arith.constant 0 : i32
    %dma_start3A_30 = tpu.memref_slice %arg3[%add3A_27, %dma_start3A_29] : memref<16384x1024xf32, #tpu.memory_space<hbm>> -> memref<32x1024xf32, #tpu.memory_space<hbm>>
    tpu.enqueue_dma source(%arg5 : memref<32x1024xf32, #tpu.memory_space<vmem>>) target(%dma_start3A_30 : memref<32x1024xf32, #tpu.memory_space<hbm>>) target_semaphore(%arg7 : memref<!tpu.dma_semaphore, #tpu.memory_space<semaphore_mem>>)
    %get3A_31 = arith.constant 32 : index
    %get3A_32 = tpu.vector_load %arg4[%get3A_31] {strides = array<i32>} : memref<512xi32, #tpu.memory_space<vmem>>, vector<16xi32>,
    %add3A_33 = arith.constant 0 : i32
    %add3A_34 = vector.broadcast %add3A_33 : i32 to vector<16xi32>
    %add3A_35 = arith.addi %iota3A, %add3A_34 : vector<16xi32>
    tpu.vector_store_idx %arg6[%add3A_35, %get3A_32], %broadcast_in_dim3A_5 : memref<32x1024xf32, #tpu.memory_space<vmem>>[vector<16xi32>, vector<16xi32>], vector<16xf32>,
    %get3A_36 = arith.constant 48 : index
    %get3A_37 = tpu.vector_load %arg4[%get3A_36] {strides = array<i32>} : memref<512xi32, #tpu.memory_space<vmem>>, vector<16xi32>,
    %add3A_38 = arith.constant 16 : i32
    %add3A_39 = vector.broadcast %add3A_38 : i32 to vector<16xi32>
    %add3A_40 = arith.addi %iota3A, %add3A_39 : vector<16xi32>
    tpu.vector_store_idx %arg6[%add3A_40, %get3A_37], %broadcast_in_dim3A_5 : memref<32x1024xf32, #tpu.memory_space<vmem>>[vector<16xi32>, vector<16xi32>], vector<16xf32>,
    %add3A_41 = arith.constant 32 : i32
    %add3A_42 = arith.addi %mul3A_2, %add3A_41 : i32
    %dma_start3A_43 = arith.constant 0 : i32
    %dma_start3A_44 = tpu.memref_slice %arg3[%add3A_42, %dma_start3A_43] : memref<16384x1024xf32, #tpu.memory_space<hbm>> -> memref<32x1024xf32, #tpu.memory_space<hbm>>
    %dma_start3A_45 = arith.constant 0 : i32
    %dma_start3A_46 = tpu.memref_slice %arg3[%add3A_42, %dma_start3A_45] : memref<16384x1024xf32, #tpu.memory_space<hbm>> -> memref<32x1024xf32, #tpu.memory_space<hbm>>
    tpu.enqueue_dma source(%arg6 : memref<32x1024xf32, #tpu.memory_space<vmem>>) target(%dma_start3A_46 : memref<32x1024xf32, #tpu.memory_space<hbm>>) target_semaphore(%arg8 : memref<!tpu.dma_semaphore, #tpu.memory_space<semaphore_mem>>)
    %scan3A_47 = arith.constant 0 : i32
    %scan3A_48 = arith.constant 1 : i32
    %scan3A_49 = arith.constant 7 : i32
    %scan3A_50 = arith.addi %scan3A_48, %scan3A_49 : i32
    %scan3A_51 = arith.constant 1 : i32
    scf.for %scan3A_64 = %scan3A_48 to %scan3A_50 step %scan3A_51  : i32 {
      %mul3A_65 = arith.constant 2 : i32
      %mul3A_66 = arith.muli %scan3A_64, %mul3A_65 : i32
      %mul3A_67 = arith.constant 32 : i32
      %mul3A_68 = arith.muli %mul3A_66, %mul3A_67 : i32
      %add3A_69 = arith.constant 0 : i32
      %add3A_70 = arith.addi %mul3A_68, %add3A_69 : i32
      %dma_wait3A_71 = arith.constant 0 : i32
      %dma_wait3A_72 = arith.constant 0 : i32
      %dma_wait3A_73 = tpu.memref_slice %arg3[%dma_wait3A_71, %dma_wait3A_72] : memref<16384x1024xf32, #tpu.memory_space<hbm>> -> memref<32x1024xf32, #tpu.memory_space<hbm>>
      %dma_wait3A_74 = arith.constant 0 : i32
      %dma_wait3A_75 = arith.constant 0 : i32
      %dma_wait3A_76 = tpu.memref_slice %arg3[%dma_wait3A_74, %dma_wait3A_75] : memref<16384x1024xf32, #tpu.memory_space<hbm>> -> memref<32x1024xf32, #tpu.memory_space<hbm>>
      tpu.wait_dma2 semaphore(%arg7 : memref<!tpu.dma_semaphore, #tpu.memory_space<semaphore_mem>>) src(%arg5 : memref<32x1024xf32, #tpu.memory_space<vmem>>) dst(%dma_wait3A_76 : memref<32x1024xf32, #tpu.memory_space<hbm>>)
      %sub3A = arith.constant 64 : i32
      %sub3A_77 = arith.subi %add3A_70, %sub3A : i32
      %add3A_78 = arith.constant 0 : i32
      %add3A_79 = arith.addi %sub3A_77, %add3A_78 : i32
      %get3A_80 = arith.index_cast %add3A_79 : i32 to index
      %get3A_81 = tpu.vector_load %arg4[%get3A_80] {strides = array<i32>} : memref<512xi32, #tpu.memory_space<vmem>>, vector<16xi32>,
      %add3A_82 = arith.constant 0 : i32
      %add3A_83 = vector.broadcast %add3A_82 : i32 to vector<16xi32>
      %add3A_84 = arith.addi %iota3A, %add3A_83 : vector<16xi32>
      tpu.vector_store_idx %arg5[%add3A_84, %get3A_81], %broadcast_in_dim3A_3 : memref<32x1024xf32, #tpu.memory_space<vmem>>[vector<16xi32>, vector<16xi32>], vector<16xf32>,
      %sub3A_85 = arith.constant 64 : i32
      %sub3A_86 = arith.subi %add3A_70, %sub3A_85 : i32
      %add3A_87 = arith.constant 16 : i32
      %add3A_88 = arith.addi %sub3A_86, %add3A_87 : i32
      %get3A_89 = arith.index_cast %add3A_88 : i32 to index
      %get3A_90 = tpu.vector_load %arg4[%get3A_89] {strides = array<i32>} : memref<512xi32, #tpu.memory_space<vmem>>, vector<16xi32>,
      %add3A_91 = arith.constant 16 : i32
      %add3A_92 = vector.broadcast %add3A_91 : i32 to vector<16xi32>
      %add3A_93 = arith.addi %iota3A, %add3A_92 : vector<16xi32>
      tpu.vector_store_idx %arg5[%add3A_93, %get3A_90], %broadcast_in_dim3A_3 : memref<32x1024xf32, #tpu.memory_space<vmem>>[vector<16xi32>, vector<16xi32>], vector<16xf32>,
      %add3A_94 = arith.constant 0 : i32
      %add3A_95 = arith.addi %add3A_70, %add3A_94 : i32
      %get3A_96 = arith.index_cast %add3A_95 : i32 to index
      %get3A_97 = tpu.vector_load %arg4[%get3A_96] {strides = array<i32>} : memref<512xi32, #tpu.memory_space<vmem>>, vector<16xi32>,
      %add3A_98 = arith.constant 0 : i32
      %add3A_99 = vector.broadcast %add3A_98 : i32 to vector<16xi32>
      %add3A_100 = arith.addi %iota3A, %add3A_99 : vector<16xi32>
      tpu.vector_store_idx %arg5[%add3A_100, %get3A_97], %broadcast_in_dim3A_5 : memref<32x1024xf32, #tpu.memory_space<vmem>>[vector<16xi32>, vector<16xi32>], vector<16xf32>,
      %add3A_101 = arith.constant 16 : i32
      %add3A_102 = arith.addi %add3A_70, %add3A_101 : i32
      %get3A_103 = arith.index_cast %add3A_102 : i32 to index
      %get3A_104 = tpu.vector_load %arg4[%get3A_103] {strides = array<i32>} : memref<512xi32, #tpu.memory_space<vmem>>, vector<16xi32>,
      %add3A_105 = arith.constant 16 : i32
      %add3A_106 = vector.broadcast %add3A_105 : i32 to vector<16xi32>
      %add3A_107 = arith.addi %iota3A, %add3A_106 : vector<16xi32>
      tpu.vector_store_idx %arg5[%add3A_107, %get3A_104], %broadcast_in_dim3A_5 : memref<32x1024xf32, #tpu.memory_space<vmem>>[vector<16xi32>, vector<16xi32>], vector<16xf32>,
      %add3A_108 = arith.addi %mul3A_2, %add3A_70 : i32
      %dma_start3A_109 = arith.constant 0 : i32
      %dma_start3A_110 = tpu.memref_slice %arg3[%add3A_108, %dma_start3A_109] : memref<16384x1024xf32, #tpu.memory_space<hbm>> -> memref<32x1024xf32, #tpu.memory_space<hbm>>
      %dma_start3A_111 = arith.constant 0 : i32
      %dma_start3A_112 = tpu.memref_slice %arg3[%add3A_108, %dma_start3A_111] : memref<16384x1024xf32, #tpu.memory_space<hbm>> -> memref<32x1024xf32, #tpu.memory_space<hbm>>
      tpu.enqueue_dma source(%arg5 : memref<32x1024xf32, #tpu.memory_space<vmem>>) target(%dma_start3A_112 : memref<32x1024xf32, #tpu.memory_space<hbm>>) target_semaphore(%arg7 : memref<!tpu.dma_semaphore, #tpu.memory_space<semaphore_mem>>)
      %add3A_113 = arith.constant 32 : i32
      %add3A_114 = arith.addi %mul3A_68, %add3A_113 : i32
      %dma_wait3A_115 = arith.constant 0 : i32
      %dma_wait3A_116 = arith.constant 0 : i32
      %dma_wait3A_117 = tpu.memref_slice %arg3[%dma_wait3A_115, %dma_wait3A_116] : memref<16384x1024xf32, #tpu.memory_space<hbm>> -> memref<32x1024xf32, #tpu.memory_space<hbm>>
      %dma_wait3A_118 = arith.constant 0 : i32
      %dma_wait3A_119 = arith.constant 0 : i32
      %dma_wait3A_120 = tpu.memref_slice %arg3[%dma_wait3A_118, %dma_wait3A_119] : memref<16384x1024xf32, #tpu.memory_space<hbm>> -> memref<32x1024xf32, #tpu.memory_space<hbm>>
      tpu.wait_dma2 semaphore(%arg8 : memref<!tpu.dma_semaphore, #tpu.memory_space<semaphore_mem>>) src(%arg6 : memref<32x1024xf32, #tpu.memory_space<vmem>>) dst(%dma_wait3A_120 : memref<32x1024xf32, #tpu.memory_space<hbm>>)
      %sub3A_121 = arith.constant 64 : i32
      %sub3A_122 = arith.subi %add3A_114, %sub3A_121 : i32
      %add3A_123 = arith.constant 0 : i32
      %add3A_124 = arith.addi %sub3A_122, %add3A_123 : i32
      %get3A_125 = arith.index_cast %add3A_124 : i32 to index
      %get3A_126 = tpu.vector_load %arg4[%get3A_125] {strides = array<i32>} : memref<512xi32, #tpu.memory_space<vmem>>, vector<16xi32>,
      %add3A_127 = arith.constant 0 : i32
      %add3A_128 = vector.broadcast %add3A_127 : i32 to vector<16xi32>
      %add3A_129 = arith.addi %iota3A, %add3A_128 : vector<16xi32>
      tpu.vector_store_idx %arg6[%add3A_129, %get3A_126], %broadcast_in_dim3A_3 : memref<32x1024xf32, #tpu.memory_space<vmem>>[vector<16xi32>, vector<16xi32>], vector<16xf32>,
      %sub3A_130 = arith.constant 64 : i32
      %sub3A_131 = arith.subi %add3A_114, %sub3A_130 : i32
      %add3A_132 = arith.constant 16 : i32
      %add3A_133 = arith.addi %sub3A_131, %add3A_132 : i32
      %get3A_134 = arith.index_cast %add3A_133 : i32 to index
      %get3A_135 = tpu.vector_load %arg4[%get3A_134] {strides = array<i32>} : memref<512xi32, #tpu.memory_space<vmem>>, vector<16xi32>,
      %add3A_136 = arith.constant 16 : i32
      %add3A_137 = vector.broadcast %add3A_136 : i32 to vector<16xi32>
      %add3A_138 = arith.addi %iota3A, %add3A_137 : vector<16xi32>
      tpu.vector_store_idx %arg6[%add3A_138, %get3A_135], %broadcast_in_dim3A_3 : memref<32x1024xf32, #tpu.memory_space<vmem>>[vector<16xi32>, vector<16xi32>], vector<16xf32>,
      %add3A_139 = arith.constant 0 : i32
      %add3A_140 = arith.addi %add3A_114, %add3A_139 : i32
      %get3A_141 = arith.index_cast %add3A_140 : i32 to index
      %get3A_142 = tpu.vector_load %arg4[%get3A_141] {strides = array<i32>} : memref<512xi32, #tpu.memory_space<vmem>>, vector<16xi32>,
      %add3A_143 = arith.constant 0 : i32
      %add3A_144 = vector.broadcast %add3A_143 : i32 to vector<16xi32>
      %add3A_145 = arith.addi %iota3A, %add3A_144 : vector<16xi32>
      tpu.vector_store_idx %arg6[%add3A_145, %get3A_142], %broadcast_in_dim3A_5 : memref<32x1024xf32, #tpu.memory_space<vmem>>[vector<16xi32>, vector<16xi32>], vector<16xf32>,
      %add3A_146 = arith.constant 16 : i32
      %add3A_147 = arith.addi %add3A_114, %add3A_146 : i32
      %get3A_148 = arith.index_cast %add3A_147 : i32 to index
      %get3A_149 = tpu.vector_load %arg4[%get3A_148] {strides = array<i32>} : memref<512xi32, #tpu.memory_space<vmem>>, vector<16xi32>,
      %add3A_150 = arith.constant 16 : i32
      %add3A_151 = vector.broadcast %add3A_150 : i32 to vector<16xi32>
      %add3A_152 = arith.addi %iota3A, %add3A_151 : vector<16xi32>
      tpu.vector_store_idx %arg6[%add3A_152, %get3A_149], %broadcast_in_dim3A_5 : memref<32x1024xf32, #tpu.memory_space<vmem>>[vector<16xi32>, vector<16xi32>], vector<16xf32>,
      %add3A_153 = arith.addi %mul3A_2, %add3A_114 : i32
      %dma_start3A_154 = arith.constant 0 : i32
      %dma_start3A_155 = tpu.memref_slice %arg3[%add3A_153, %dma_start3A_154] : memref<16384x1024xf32, #tpu.memory_space<hbm>> -> memref<32x1024xf32, #tpu.memory_space<hbm>>
      %dma_start3A_156 = arith.constant 0 : i32
      %dma_start3A_157 = tpu.memref_slice %arg3[%add3A_153, %dma_start3A_156] : memref<16384x1024xf32, #tpu.memory_space<hbm>> -> memref<32x1024xf32, #tpu.memory_space<hbm>>
      tpu.enqueue_dma source(%arg6 : memref<32x1024xf32, #tpu.memory_space<vmem>>) target(%dma_start3A_157 : memref<32x1024xf32, #tpu.memory_space<hbm>>) target_semaphore(%arg8 : memref<!tpu.dma_semaphore, #tpu.memory_space<semaphore_mem>>)
    }
    %scan3A_52 = arith.constant 7 : i32
    %dma_wait3A = arith.constant 0 : i32
    %dma_wait3A_53 = arith.constant 0 : i32
    %dma_wait3A_54 = tpu.memref_slice %arg3[%dma_wait3A, %dma_wait3A_53] : memref<16384x1024xf32, #tpu.memory_space<hbm>> -> memref<32x1024xf32, #tpu.memory_space<hbm>>
    %dma_wait3A_55 = arith.constant 0 : i32
    %dma_wait3A_56 = arith.constant 0 : i32
    %dma_wait3A_57 = tpu.memref_slice %arg3[%dma_wait3A_55, %dma_wait3A_56] : memref<16384x1024xf32, #tpu.memory_space<hbm>> -> memref<32x1024xf32, #tpu.memory_space<hbm>>
    tpu.wait_dma2 semaphore(%arg7 : memref<!tpu.dma_semaphore, #tpu.memory_space<semaphore_mem>>) src(%arg5 : memref<32x1024xf32, #tpu.memory_space<vmem>>) dst(%dma_wait3A_57 : memref<32x1024xf32, #tpu.memory_space<hbm>>)
    %dma_wait3A_58 = arith.constant 0 : i32
    %dma_wait3A_59 = arith.constant 0 : i32
    %dma_wait3A_60 = tpu.memref_slice %arg3[%dma_wait3A_58, %dma_wait3A_59] : memref<16384x1024xf32, #tpu.memory_space<hbm>> -> memref<32x1024xf32, #tpu.memory_space<hbm>>
    %dma_wait3A_61 = arith.constant 0 : i32
    %dma_wait3A_62 = arith.constant 0 : i32
    %dma_wait3A_63 = tpu.memref_slice %arg3[%dma_wait3A_61, %dma_wait3A_62] : memref<16384x1024xf32, #tpu.memory_space<hbm>> -> memref<32x1024xf32, #tpu.memory_space<hbm>>
    tpu.wait_dma2 semaphore(%arg8 : memref<!tpu.dma_semaphore, #tpu.memory_space<semaphore_mem>>) src(%arg6 : memref<32x1024xf32, #tpu.memory_space<vmem>>) dst(%dma_wait3A_63 : memref<32x1024xf32, #tpu.memory_space<hbm>>)
    return
  }
}

</mosaic_0001>

<sc_bundles>
// kernel: kernel.3.cloned.1.call-start
scs
__scs_entry_jumppad:
0x0: {  	(pc) =	sbr.rel $0x88, $3  }
0x1: {  	(tag) =	ssettag $0x0;
	lr =	simm.s32 $0x1  }
0x2: {  	[smem:$0x3FA0] =	sst lr;
	_ =	strace $0xD0000000  }
0x3: {  	_ = 	snop  }
0x4: {  	_ = 	snop  }
0x5: {  	_ = 	snop  }
0x6: {  	_ = 	snop  }
0x7: {  	_ = 	snop  }
__scs_overlays_trampoline_lowered:
0x8: {  	[smem:$0x3FAF] =	sst s0  }
0x9: {  	[smem:$0x3FB0] =	sst s1  }
0xa: {  	[smem:$0x3FB1] =	sst s2  }
0xb: {  	[smem:$0x3FB2] =	sst s3  }
0xc: {  	[smem:$0x3FB3] =	sst s4  }
0xd: {  	[smem:$0x3FB4] =	sst s5  }
0xe: {  	[smem:$0x3FB5] =	sst s6  }
0xf: {  	[smem:$0x3FB6] =	sst s7  }
0x10: {  	[smem:$0x3FB7] =	sst s8  }
0x11: {  	[smem:$0x3FB8] =	sst s9;
	s0 =	simm.s32 @!p0 $0x0  }
0x12: {  	s1 =	sld [smem:$0x3F9E];
	s0 =	simm.s32 @p0 $0x1  }
0x13: {  	[smem:$0x3FB9] =	sst s0;
	s0 =	simm.s32 @!p1 $0x0  }
0x14: {  	s2 =	sld [smem:$0x3F9D];
	s0 =	simm.s32 @p1 $0x1  }
0x15: {  	[smem:$0x3FBA] =	sst s0;
	s0 =	simm.s32 @!p2 $0x0  }
0x16: {  	s3 =	sld [smem:$0x3FDB];
	s0 =	simm.s32 @p2 $0x1  }
0x17: {  	s4 =	simm.s32 $0x1BF5;
	[smem:$0x3FBC] =	sst s0  }
0x18: {  	s0 =	sld [smem:$0x3F9F];
	_ =	swait.ge [sflag:s4], $0x0  }
0x19: {  	s7 =	sld [smem:$0x3FA0]  }
0x1a: {  	s8 =	sadd.s32 $0xFFFFE003, lr  }
0x1b: {  	s9 =	sadd.s32 $0xFFFFFEF7, lr;
	s5 =	simm.s32 $0xFFFFFFFF;
	p2 =	slt.u32 s8, $0xFFFFF086  }
0x1c: {  	p1 =	slt.u32 s9, $0xF7A;
	s5 =	simm.s32 @!p2 $0x0  }
0x1d: {  	s5 =	simm.s32 @p1 $0x1;
	p0 =	seq.s32 s7, s2  }
0x1e: {  	s7 =	smul.u32 @!p0 $0xF7A, s2;
	p2 =	seq.s32 @!p0 s5, $0x0  }
0x1f: {  	s9 =	smul.u32 $0xF7A, s1;
	s8 =	simm.s32 @!p0 $0x1BF5;
	p2 =	por !p2, p0  }
0x20: {  	[sflag:s8] =	ssyncset.s32 @!p0 $0xFFFFF086;
	s6 =	sadd.s32 @!p0 s3, s7;
	s7 =	simm.s32 @!p0 $0x108  }
0x21: {  	s3 =	sadd.s32 s3, s9;
	s6 =	sadd.s32 @!p0 $0x88, s6;
	s7 =	simm.s32 @p2 $0x1082  }
0x22: {  	[simem:s7], [sflag:s8] =	dma.local @!p0 [hbm:s6], $0xF7A  }
0x23: {  	s9 =	sor.u32 $0xD0000000, s2;
	s6 =	simm.s32 $0x108;
	_ =	swait.ge @!p0 [sflag:s8], $0x0  }
0x24: {  	s3 =	sadd.s32 $0x88, s3;
	s6 =	simm.s32 @!p1 $0x1082;
	[sflag:s4] =	ssyncset.s32 $0xFFFFF086  }
0x25: {  	[simem:s6], [sflag:s4] =	dma.local [hbm:s3], $0xF7A  }
0x26: {  	[smem:$0x3FA0] =	sst s1;
	(tag) =	ssettag s2;
	_ =	strace s9  }
0x27: {  	s1 =	sld [smem:$0x3FB0]  }
0x28: {  	s2 =	sld [smem:$0x3FB1]  }
0x29: {  	s4 =	sld [smem:$0x3FB3]  }
0x2a: {  	p0 =	seq.s32 s5, $0x0;
	s5 =	sld [smem:$0x3FB4]  }
0x2b: {  	s6 =	sld [smem:$0x3FB5]  }
0x2c: {  	s7 =	sld [smem:$0x3FB6]  }
0x2d: {  	s3 =	simm.s32 $0x108;
	s8 =	sld [smem:$0x3FB7]  }
0x2e: {  	s3 =	simm.s32 @!p0 $0x1082;
	s9 =	sld [smem:$0x3FB8]  }
0x2f: {  	lr =	sadd.s32 s0, s3;
	s0 =	sld [smem:$0x3FAF]  }
0x30: {  	s3 =	sld [smem:$0x3FB2]  }
0x31: {  	[smem:$0x3FBB] =	sst s10  }
0x32: {  	s10 =	sld [smem:$0x3FB9];
	_ =	sdelay $0x3  }
0x33: {  	p0 =	seq.s32 s10, $0x1;
	s10 =	sld [smem:$0x3FBB];
	_ =	sdelay $0x3  }
0x34: {  	[smem:$0x3FBB] =	sst s10  }
0x35: {  	s10 =	sld [smem:$0x3FBA];
	_ =	sdelay $0x3  }
0x36: {  	p1 =	seq.s32 s10, $0x1;
	s10 =	sld [smem:$0x3FBB];
	_ =	sdelay $0x3  }
0x37: {  	[smem:$0x3FBB] =	sst s10  }
0x38: {  	s10 =	sld [smem:$0x3FBC]  }
0x39: {  	_ = 	snop;
	(pc) =	sbr.ind lr, $3  }
0x3a: {  	_ = 	snop  }
0x3b: {  	_ = 	snop  }
0x3c: {  	p2 =	seq.s32 s10, $0x1;
	s10 =	sld [smem:$0x3FBB]  }
0x3d: {  	_ =	shalt  }
0x3e: {  	_ =	shalt  }
0x3f: {  	_ =	shalt  }
0x40: {  	_ =	shalt  }
0x41: {  	_ =	shalt  }
0x42: {  	_ =	shalt  }
0x43: {  	_ =	shalt  }
0x44: {  	_ =	shalt  }
0x45: {  	_ =	shalt  }
0x46: {  	_ =	shalt  }
0x47: {  	_ =	shalt  }
0x48: {  	_ =	shalt  }
0x49: {  	_ =	shalt  }
0x4a: {  	_ =	shalt  }
0x4b: {  	_ =	shalt  }
0x4c: {  	_ =	shalt  }
0x4d: {  	_ =	shalt  }
0x4e: {  	_ =	shalt  }
0x4f: {  	_ =	shalt  }
0x50: {  	_ =	shalt  }
0x51: {  	_ =	shalt  }
0x52: {  	_ =	shalt  }
0x53: {  	_ =	shalt  }
0x54: {  	_ =	shalt  }
0x55: {  	_ =	shalt  }
0x56: {  	_ =	shalt  }
0x57: {  	_ =	shalt  }
0x58: {  	_ =	shalt  }
0x59: {  	_ =	shalt  }
0x5a: {  	_ =	shalt  }
0x5b: {  	_ =	shalt  }
0x5c: {  	_ =	shalt  }
0x5d: {  	_ =	shalt  }
0x5e: {  	_ =	shalt  }
0x5f: {  	_ =	shalt  }
0x60: {  	_ =	shalt  }
0x61: {  	_ =	shalt  }
0x62: {  	_ =	shalt  }
0x63: {  	_ =	shalt  }
0x64: {  	_ =	shalt  }
0x65: {  	_ =	shalt  }
0x66: {  	_ =	shalt  }
0x67: {  	_ =	shalt  }
0x68: {  	_ =	shalt  }
0x69: {  	_ =	shalt  }
0x6a: {  	_ =	shalt  }
0x6b: {  	_ =	shalt  }
0x6c: {  	_ =	shalt  }
0x6d: {  	_ =	shalt  }
0x6e: {  	_ =	shalt  }
0x6f: {  	_ =	shalt  }
0x70: {  	_ =	shalt  }
0x71: {  	_ =	shalt  }
0x72: {  	_ =	shalt  }
0x73: {  	_ =	shalt  }
0x74: {  	_ =	shalt  }
0x75: {  	_ =	shalt  }
0x76: {  	_ =	shalt  }
0x77: {  	_ =	shalt  }
0x78: {  	_ =	shalt  }
0x79: {  	_ =	shalt  }
0x7a: {  	_ =	shalt  }
0x7b: {  	_ =	shalt  }
0x7c: {  	_ =	shalt  }
0x7d: {  	_ =	shalt  }
0x7e: {  	_ =	shalt  }
0x7f: {  	_ =	shalt  }
0x80: {  	_ =	shalt  }
0x81: {  	_ =	shalt  }
0x82: {  	_ =	shalt  }
0x83: {  	_ =	shalt  }
0x84: {  	_ =	shalt  }
0x85: {  	_ =	shalt  }
0x86: {  	_ =	shalt  }
0x87: {  	_ =	shalt  }
.Lfunc_end0:
.L_simem_size_0:
called_computation.1_lowered:
.L_overlay_start_0:
0x88: {  	s2 =	sld [smem:$0x3FD9]  }
0x89: {  	s3 =	sld [smem:$0x3FFE];
	_ =	sdelay $0x1  }
0x8a: {  	s1 =	srdreg.scid  }
0x8b: {  	s0 =	sand.u32 $0x1, s1  }
0x8c: {  	s17 =	sshll.u32 s0, $0xA;
	s2 =	sadd.s32 s3, s2  }
0x8d: {  	s2 =	sadd.s32 s2, s17  }
0x8e: {  	[smem:$0x3FC7] =	sst s2  }
0x8f: {  	_ = 	snop  }
0x90: {  	s2 =	sld [smem:$0x3FC9];
	(tm) =	ssettm $0x1  }
0x91: {  	s18 =	sld [smem:$0x3FFB];
	_ =	sdelay $0x3  }
0x92: {  	_ =	strace s18  }
0x93: {  	s3 =	sld [smem:$0x3FFC];
	_ =	sdelay $0x3  }
0x94: {  	_ =	strace s3  }
0x95: {  	s3 =	sld [smem:$0x3FFD];
	_ =	sdelay $0x3  }
0x96: {  	_ =	strace s3  }
0x97: {  	_ =	strace $0x8FFFFFFF  }
0x98: {  	s19 =	sld [smem:$0x3FDB];
	_ =	sdelay $0x1  }
0x99: {  	s4 =	simm.s32 $_scs_section_size  }
0x9a: {  	s5 =	simm.s32 $_size__tile_overlayer_lowered;
	s6 =	simm.s32 $_tile_overlayer_lowered  }
0x9b: {  	s22 =	simm.s32 $0x1BFF;
	s21 =	sshll.u32 s6, $0x1;
	s3 =	sadd.s32 s4, s19  }
0x9c: {  	s7 =	simm.s32 $0x0;
	s20 =	sshll.u32 s5, $0x1;
	s5 =	sadd.s32 s21, s3  }
0x9d: {  	[timem:s7], [sflag:s22] =	dma.local [hbm:s5], s20  }
0x9e: {  	_ =	swait.ge [sflag:s22], s20  }
0x9f: {  	s4 =	ssub.s32 $0x0, s20;
	[sflag:s22] =	ssyncset.done $0x0  }
0xa0: {  	[sflag:s22] =	ssyncadd.s32 s4;
	_ =	sdelay $0x1  }
0xa1: {  	s23 =	simm.s32 $0x1B8B  }
0xa2: {  	_ =	swait.ge [sflag:s23], $0x1  }
0xa3: {  	[sflag:s23] =	ssyncset.done $0x0  }
0xa4: {  	s25 =	simm.s32 $0x1B8E;
	s24 =	sld [smem:$0x3FFE];
	[sflag:s23] =	ssyncadd.s32 $0xFFFFFFFF  }
0xa5: {  	s26 =	simm.s32 $execute0_lowered;
	[smem:$0x3FD2] =	sst s25  }
0xa6: {  	s5 =	sshll.u32 s26, $0x1;
	_ =	strace $0x80000046;
	[dreg:$0x1] =	wrdreg $0xFFFFFFFF  }
0xa7: {  	s28 =	simm.s32 $_size_execute0_lowered;
	s3 =	sadd.s32 s3, s5;
	[dreg:$0x0] =	wrdreg $0x0  }
0xa8: {  	s5 =	sshll.u32 s28, $0x1;
	[dreg:$0x2] =	wrdreg s3  }
0xa9: {  	[dreg:$0x3] =	wrdreg s5  }
0xaa: {  	[dreg:$0x4] =	wrdreg $0xC0  }
0xab: {  	_ =	task [dreg:s7], $0x5FFFF  }
0xac: {  	[dreg:$0x1] =	wrdreg $0xFFFFFFFF  }
0xad: {  	[dreg:$0x0] =	wrdreg $0x60  }
0xae: {  	[dreg:$0x2] =	wrdreg s2  }
0xaf: {  	[dreg:$0x3] =	wrdreg s24  }
0xb0: {  	[dreg:$0x4] =	wrdreg $0x9  }
0xb1: {  	_ =	task.clear_ibuf [dreg:s7], $0x5FFFF;
	_ =	strace $0x90000046  }
0xb2: {  	s29 =	simm.s32 $0x9;
	_ =	strace $0x80000048  }
0xb3: {  	_ =	swait.ge [sflag:s29], $0x1  }
0xb4: {  	[sflag:s29] =	ssyncadd.s32 $0xFFFFFFFF  }
0xb5: {  	_ =	strace $0x90000048  }
0xb6: {  	_ =	sfence  }
0xb7: {  	s30 =	sld [smem:$0x0];
	_ =	sdelay $0x2  }
0xb8: {  	s31 =	sshll.u32 s1, $0xD;
	s1 =	sshrl.u32 s1, $0x2  }
0xb9: {  	s3 =	sand.u32 $0x4000, s31;
	s1 =	sadd.s32 s1, s30  }
0xba: {  	s0 =	sor.u32 s3, s0;
	s1 =	sshll.u32 s1, $0x11  }
0xbb: {  	s0 =	sor.u32 s1, s0  }
0xbc: {  	s0 =	sadd.s32 $0x8F2B, s0  }
0xbd: {  	[sflag:s0] =	ssyncadd.remote.s32 $0x1  }
0xbe: {  	_ =	sfence.sel $0xFFFF  }
0xbf: {  	[dreg:$0x0] =	wrdreg $0xFFFFFFFF;
	(pc) =	sbr.abs _section_cstart, $3  }
0xc0: {  	[dreg:$0x1] =	wrdreg $0xFFFFFFFF  }
0xc1: {  	_ =	task.clear_ibuf [dreg:s7], $0x2FFFF;
	_ =	strace $0x9FFFFFFF  }
0xc2: {  	(tm) =	ssettm $0x7FFFFFFF  }
0xc3: {  	_ =	shalt  }
tec
execute0_lowered:
.L_overlay_start_1:
0x0: {  	(tag) =	ssettag $0x1  }
0x1: {  	v0 =	vimm.f32 $0.0e+00  }
0x2: {  	v1 =	vimm.s32 $0x2380;
	vm0 =	vcmask $0x300;
	v2 =	vimm.s32 $0x6380  }
0x3: {  	vm1 =	vcmask $0x704;
	v1 =	vsel vm0, $0x0, v1;
	v2 =	vsel vm0, $0x4000, v2  }
0x4: {  	vm15 =	vcmask $0xB08;
	v1 =	vsel vm1, $0x80, v1;
	v2 =	vsel vm1, $0x4080, v2  }
0x5: {  	vm4 =	vcmask $0xF0C;
	v1 =	vsel vm15, $0x100, v1;
	v2 =	vsel vm15, $0x4100, v2  }
0x6: {  	s3 =	rddreg [dreg:$0x0];
	vm5 =	vcmask $0x1310;
	v1 =	vsel vm4, $0x180, v1;
	v2 =	vsel vm4, $0x4180, v2  }
0x7: {  	s4 =	rddreg [dreg:$0x1];
	vm6 =	vcmask $0x1714;
	v1 =	vsel vm5, $0x200, v1;
	v2 =	vsel vm5, $0x4200, v2  }
0x8: {  	s0 =	rddreg [dreg:$0x2];
	s1 =	simm.s32 $0x0;
	s5 =	srdreg.scid;
	vm7 =	vcmask $0x1B18;
	v1 =	vsel vm6, $0x280, v1;
	v2 =	vsel vm6, $0x4280, v2  }
0x9: {  	s2 =	stileid.u32;
	vm8 =	vcmask $0x1F1C;
	s10 =	simm.s32 $0x8200;
	s11 =	simm.s32 $0x1;
	v1 =	vsel vm7, $0x300, v1;
	v2 =	vsel vm7, $0x4300, v2  }
0xa: {  	vm9 =	vcmask $0x2320;
	s12 =	simm.s32 $0x2;
	s13 =	simm.s32 $0x0;
	[smem:$0x7FF] =	sst s1;
	v1 =	vsel vm8, $0x380, v1;
	v2 =	vsel vm8, $0x4380, v2  }
0xb: {  	vm10 =	vcmask $0x2724;
	s5 =	sand.u32 $0x1, s5;
	s7 =	sshll.u32 s2, $0xA;
	s26 =	sadd.s32 $0x800, s4;
	v1 =	vsel vm9, $0x2000, v1;
	v2 =	vsel vm9, $0x6000, v2  }
0xc: {  	vm11 =	vcmask $0x2B28;
	s30 =	sshll.u32 s2, $0x11;
	s6 =	ssub.s32 $0x2, s5;
	s8 =	sshll.u32 s5, $0x9;
	v1 =	vsel vm10, $0x2080, v1;
	v2 =	vsel vm10, $0x6080, v2  }
0xd: {  	vm12 =	vcmask $0x2F2C;
	_ =	strace $0x80000047;
	s31 =	sshll.u32 s5, $0x10;
	s9 =	sshrl.u32 s6, $0x1;
	v1 =	vsel vm11, $0x2100, v1;
	v2 =	vsel vm11, $0x6100, v2  }
0xe: {  	vm13 =	vcmask $0x3330;
	s7 =	sor.u32 s8, s7;
	s8 =	simm.s32 $0x3;
	s6 =	ssub.s32 s6, s9;
	v1 =	vsel vm12, $0x2180, v1;
	v2 =	vsel vm12, $0x6180, v2  }
0xf: {  	vm14 =	vcmask $0x3734;
	s28 =	sshrl.u32 s7, $0x3;
	s29 =	sshll.u32 s7, $0x7;
	s7 =	sadd.s32 s30, s26;
	v1 =	vsel vm13, $0x2200, v1;
	v2 =	vsel vm13, $0x6200, v2  }
0x10: {  	vm15 =	vcmask $0x3B38;
	s9 =	simm.s32 $0x200;
	s3 =	sadd.s32 s3, s28;
	s4 =	sadd.s32 s26, s29;
	v1 =	vsel vm14, $0x2280, v1;
	v3 =	vsel vm14, $0x6280, v2  }
0x11: {  	s6 =	smax.u32 s6, $0x1;
	s7 =	sadd.s32 s31, s7;
	s5 =	sadd.s32 $0x1000, s4;
	v2 =	vimm.f32 $1.000000000e+00;
	v1 =	vsel vm15, $0x2300, v1;
	v3 =	vsel vm15, $0x6300, v3  }
.LBB2_1:
0x12: {  	[tilespmem:s1], [sflag:$0x3] =	stream.linear.gather [hbm4b:s3+s1], $0x200, $0x38;
	[tilespmem:$0x10200] =	vst v63  }
0x13: {  	s14 =	simm.s32 $0xFFFF8000;
	_ =	swait.ge [sflag:s8], $0x200  }
0x14: {  	s15 =	simm.s32 $0xFFFF8000;
	s16 =	simm.s32 $0x0;
	[sflag:s8] =	ssyncset.done $0x0  }
0x15: {  	s17 =	simm.s32 $0x0;
	s18 =	simm.s32 $0x0;
	[sflag:s8] =	ssyncadd.s32 $0xFFFFFE00  }
.LBB2_2:
0x16: {  	s19 =	sadd.s32 $0x8000, s15  }
0x17: {  	s20 =	sand.u32 $0x380, s18;
	s19 =	sand.u32 $0x6000, s19  }
0x18: {  	s19 =	sor.u32 s20, s19  }
0x19: {  	[tilespmem:s19+$0x200] =	vst v0  }
0x1a: {  	[tilespmem:s19+$0x210] =	vst v0  }
0x1b: {  	[tilespmem:s19+$0x220] =	vst v0  }
0x1c: {  	[tilespmem:s19+$0x230] =	vst v0  }
0x1d: {  	[tilespmem:s19+$0x240] =	vst v0  }
0x1e: {  	[tilespmem:s19+$0x250] =	vst v0  }
0x1f: {  	[tilespmem:s19+$0x260] =	vst v0  }
0x20: {  	[tilespmem:s19+$0x270] =	vst v0  }
0x21: {  	[tilespmem:s19+$0x600] =	vst v0  }
0x22: {  	[tilespmem:s19+$0x610] =	vst v0  }
0x23: {  	[tilespmem:s19+$0x620] =	vst v0  }
0x24: {  	[tilespmem:s19+$0x630] =	vst v0  }
0x25: {  	[tilespmem:s19+$0x640] =	vst v0  }
0x26: {  	[tilespmem:s19+$0x650] =	vst v0  }
0x27: {  	[tilespmem:s19+$0x660] =	vst v0  }
0x28: {  	[tilespmem:s19+$0x670] =	vst v0  }
0x29: {  	[tilespmem:s19+$0xA00] =	vst v0  }
0x2a: {  	[tilespmem:s19+$0xA10] =	vst v0  }
0x2b: {  	[tilespmem:s19+$0xA20] =	vst v0  }
0x2c: {  	[tilespmem:s19+$0xA30] =	vst v0  }
0x2d: {  	[tilespmem:s19+$0xA40] =	vst v0  }
0x2e: {  	[tilespmem:s19+$0xA50] =	vst v0  }
0x2f: {  	[tilespmem:s19+$0xA60] =	vst v0  }
0x30: {  	[tilespmem:s19+$0xA70] =	vst v0  }
0x31: {  	[tilespmem:s19+$0xE00] =	vst v0  }
0x32: {  	[tilespmem:s19+$0xE10] =	vst v0  }
0x33: {  	[tilespmem:s19+$0xE20] =	vst v0  }
0x34: {  	[tilespmem:s19+$0xE30] =	vst v0  }
0x35: {  	[tilespmem:s19+$0xE40] =	vst v0  }
0x36: {  	[tilespmem:s19+$0xE50] =	vst v0  }
0x37: {  	[tilespmem:s19+$0xE60] =	vst v0  }
0x38: {  	[tilespmem:s19+$0xE70] =	vst v0  }
0x39: {  	[tilespmem:s19+$0x1200] =	vst v0  }
0x3a: {  	[tilespmem:s19+$0x1210] =	vst v0  }
0x3b: {  	[tilespmem:s19+$0x1220] =	vst v0  }
0x3c: {  	[tilespmem:s19+$0x1230] =	vst v0  }
0x3d: {  	[tilespmem:s19+$0x1240] =	vst v0  }
0x3e: {  	[tilespmem:s19+$0x1250] =	vst v0  }
0x3f: {  	[tilespmem:s19+$0x1260] =	vst v0  }
0x40: {  	[tilespmem:s19+$0x1270] =	vst v0  }
0x41: {  	[tilespmem:s19+$0x1600] =	vst v0  }
0x42: {  	[tilespmem:s19+$0x1610] =	vst v0  }
0x43: {  	[tilespmem:s19+$0x1620] =	vst v0  }
0x44: {  	[tilespmem:s19+$0x1630] =	vst v0  }
0x45: {  	[tilespmem:s19+$0x1640] =	vst v0  }
0x46: {  	[tilespmem:s19+$0x1650] =	vst v0  }
0x47: {  	[tilespmem:s19+$0x1660] =	vst v0  }
0x48: {  	[tilespmem:s19+$0x1670] =	vst v0  }
0x49: {  	[tilespmem:s19+$0x1A00] =	vst v0  }
0x4a: {  	[tilespmem:s19+$0x1A10] =	vst v0  }
0x4b: {  	[tilespmem:s19+$0x1A20] =	vst v0  }
0x4c: {  	[tilespmem:s19+$0x1A30] =	vst v0  }
0x4d: {  	s22 =	sand.u32 $0x7, s16;
	[tilespmem:s19+$0x1A40] =	vst v0  }
0x4e: {  	s20 =	sshll.u32 s22, $0x7;
	[tilespmem:s19+$0x1A50] =	vst v0  }
0x4f: {  	s20 =	sadd.s32 s20, s17;
	[tilespmem:s19+$0x1A60] =	vst v0  }
0x50: {  	[tilespmem:s19+$0x1A70] =	vst v0;
	s23 =	sor.u32 $0x1C00, s20  }
0x51: {  	s24 =	sor.u32 $0x1C10, s20;
	[tilespmem:s23+$0x200] =	vst v0  }
0x52: {  	s25 =	sor.u32 $0x1C20, s20;
	[tilespmem:s24+$0x200] =	vst v0  }
0x53: {  	p0 =	sne.s32 s18, $0xF80;
	s26 =	sor.u32 $0x1C30, s20;
	[tilespmem:s25+$0x200] =	vst v0  }
.Ltmp0:
0x54: {  	s28 =	sor.u32 $0x1C40, s20;
	[tilespmem:s26+$0x200] =	vst v0;
	(pc) =	sbr.rel @p0 .LBB2_2-.Ltmp0, $4  }
0x55: {  	s29 =	sor.u32 $0x1C50, s20;
	[tilespmem:s28+$0x200] =	vst v0  }
0x56: {  	s30 =	sor.u32 $0x1C60, s20;
	[tilespmem:s29+$0x200] =	vst v0  }
0x57: {  	s16 =	sadd.s32 $0x1, s16;
	s31 =	sor.u32 $0x1C70, s20;
	[tilespmem:s30+$0x200] =	vst v0  }
0x58: {  	s15 =	sadd.s32 $0x400, s15;
	s18 =	sadd.s32 $0x80, s18;
	s17 =	sadd.s32 $0x400, s17;
	[tilespmem:s31+$0x200] =	vst v0  }
0x59: {  	s15 =	simm.s32 $0x0;
	s16 =	simm.s32 $0x0;
	s17 =	simm.s32 $0x0  }
.LBB2_4:
0x5a: {  	s18 =	sadd.s32 $0x8000, s14  }
0x5b: {  	s19 =	sand.u32 $0x380, s17;
	s18 =	sand.u32 $0x6000, s18  }
0x5c: {  	s18 =	sor.u32 s19, s18  }
0x5d: {  	[tilespmem:s18+$0x8200] =	vst v0  }
0x5e: {  	[tilespmem:s18+$0x8210] =	vst v0  }
0x5f: {  	[tilespmem:s18+$0x8220] =	vst v0  }
0x60: {  	[tilespmem:s18+$0x8230] =	vst v0  }
0x61: {  	[tilespmem:s18+$0x8240] =	vst v0  }
0x62: {  	[tilespmem:s18+$0x8250] =	vst v0  }
0x63: {  	[tilespmem:s18+$0x8260] =	vst v0  }
0x64: {  	[tilespmem:s18+$0x8270] =	vst v0  }
0x65: {  	[tilespmem:s18+$0x8600] =	vst v0  }
0x66: {  	[tilespmem:s18+$0x8610] =	vst v0  }
0x67: {  	[tilespmem:s18+$0x8620] =	vst v0  }
0x68: {  	[tilespmem:s18+$0x8630] =	vst v0  }
0x69: {  	[tilespmem:s18+$0x8640] =	vst v0  }
0x6a: {  	[tilespmem:s18+$0x8650] =	vst v0  }
0x6b: {  	[tilespmem:s18+$0x8660] =	vst v0  }
0x6c: {  	[tilespmem:s18+$0x8670] =	vst v0  }
0x6d: {  	[tilespmem:s18+$0x8A00] =	vst v0  }
0x6e: {  	[tilespmem:s18+$0x8A10] =	vst v0  }
0x6f: {  	[tilespmem:s18+$0x8A20] =	vst v0  }
0x70: {  	[tilespmem:s18+$0x8A30] =	vst v0  }
0x71: {  	[tilespmem:s18+$0x8A40] =	vst v0  }
0x72: {  	[tilespmem:s18+$0x8A50] =	vst v0  }
0x73: {  	[tilespmem:s18+$0x8A60] =	vst v0  }
0x74: {  	[tilespmem:s18+$0x8A70] =	vst v0  }
0x75: {  	[tilespmem:s18+$0x8E00] =	vst v0  }
0x76: {  	[tilespmem:s18+$0x8E10] =	vst v0  }
0x77: {  	[tilespmem:s18+$0x8E20] =	vst v0  }
0x78: {  	[tilespmem:s18+$0x8E30] =	vst v0  }
0x79: {  	[tilespmem:s18+$0x8E40] =	vst v0  }
0x7a: {  	[tilespmem:s18+$0x8E50] =	vst v0  }
0x7b: {  	[tilespmem:s18+$0x8E60] =	vst v0  }
0x7c: {  	[tilespmem:s18+$0x8E70] =	vst v0  }
0x7d: {  	[tilespmem:s18+$0x9200] =	vst v0  }
0x7e: {  	[tilespmem:s18+$0x9210] =	vst v0  }
0x7f: {  	[tilespmem:s18+$0x9220] =	vst v0  }
0x80: {  	[tilespmem:s18+$0x9230] =	vst v0  }
0x81: {  	[tilespmem:s18+$0x9240] =	vst v0  }
0x82: {  	[tilespmem:s18+$0x9250] =	vst v0  }
0x83: {  	[tilespmem:s18+$0x9260] =	vst v0  }
0x84: {  	[tilespmem:s18+$0x9270] =	vst v0  }
0x85: {  	[tilespmem:s18+$0x9600] =	vst v0  }
0x86: {  	[tilespmem:s18+$0x9610] =	vst v0  }
0x87: {  	[tilespmem:s18+$0x9620] =	vst v0  }
0x88: {  	[tilespmem:s18+$0x9630] =	vst v0  }
0x89: {  	[tilespmem:s18+$0x9640] =	vst v0  }
0x8a: {  	[tilespmem:s18+$0x9650] =	vst v0  }
0x8b: {  	[tilespmem:s18+$0x9660] =	vst v0  }
0x8c: {  	[tilespmem:s18+$0x9670] =	vst v0  }
0x8d: {  	[tilespmem:s18+$0x9A00] =	vst v0  }
0x8e: {  	[tilespmem:s18+$0x9A10] =	vst v0  }
0x8f: {  	[tilespmem:s18+$0x9A20] =	vst v0  }
0x90: {  	[tilespmem:s18+$0x9A30] =	vst v0  }
0x91: {  	s22 =	sand.u32 $0x7, s15;
	[tilespmem:s18+$0x9A40] =	vst v0  }
0x92: {  	s19 =	sshll.u32 s22, $0x7;
	[tilespmem:s18+$0x9A50] =	vst v0  }
0x93: {  	s19 =	sadd.s32 s19, s16;
	[tilespmem:s18+$0x9A60] =	vst v0  }
0x94: {  	[tilespmem:s18+$0x9A70] =	vst v0;
	s23 =	sor.u32 $0x1C00, s19  }
0x95: {  	s24 =	sor.u32 $0x1C10, s19;
	[tilespmem:s23+$0x8200] =	vst v0  }
0x96: {  	s25 =	sor.u32 $0x1C20, s19;
	[tilespmem:s24+$0x8200] =	vst v0  }
0x97: {  	p0 =	sne.s32 s17, $0xF80;
	s26 =	sor.u32 $0x1C30, s19;
	[tilespmem:s25+$0x8200] =	vst v0  }
.Ltmp1:
0x98: {  	s28 =	sor.u32 $0x1C40, s19;
	[tilespmem:s26+$0x8200] =	vst v0;
	(pc) =	sbr.rel @p0 .LBB2_4-.Ltmp1, $4  }
0x99: {  	s29 =	sor.u32 $0x1C50, s19;
	[tilespmem:s28+$0x8200] =	vst v0  }
0x9a: {  	s30 =	sor.u32 $0x1C60, s19;
	[tilespmem:s29+$0x8200] =	vst v0  }
0x9b: {  	s15 =	sadd.s32 $0x1, s15;
	s31 =	sor.u32 $0x1C70, s19;
	[tilespmem:s30+$0x8200] =	vst v0  }
0x9c: {  	s14 =	sadd.s32 $0x400, s14;
	s17 =	sadd.s32 $0x80, s17;
	s16 =	sadd.s32 $0x400, s16;
	[tilespmem:s31+$0x8200] =	vst v0  }
0x9d: {  	v4 =	vld [tilespmem:$0x0];
	_ =	sdelay $0x4  }
0x9e: {  	v5 =	vshll.u32 v4, $0x3  }
0x9f: {  	v4 =	vand.u32 $0x7F, v4;
	v5 =	vand.u32 $0xFFFFFC00, v5  }
0xa0: {  	v4 =	vor.u32 v4, v5  }
0xa1: {  	v4 =	vadd.s32 v1, v4;
	_ =	sdelay $0x4  }
0xa2: {  	[tilespmem:v4+s9+$0x0] =	vst.idx.msk $0xffff, v2  }
0xa3: {  	v4 =	vld [tilespmem:$0x10];
	_ =	sdelay $0x4  }
0xa4: {  	v5 =	vshll.u32 v4, $0x3  }
0xa5: {  	v4 =	vand.u32 $0x7F, v4;
	v5 =	vand.u32 $0xFFFFFC00, v5  }
0xa6: {  	v4 =	vor.u32 v4, v5  }
0xa7: {  	v4 =	vadd.s32 v3, v4;
	_ =	sdelay $0x4  }
0xa8: {  	[tilespmem:v4+s9+$0x0] =	vst.idx.msk $0xffff, v2  }
0xa9: {  	[hbm4b:s4+s1] =	stream.linear.scatter [tilespmem:s9], [sflag:$0x1], $0x8000, $0x38;
	[tilespmem:$0x10200] =	vst v63  }
0xaa: {  	v4 =	vld [tilespmem:$0x20];
	_ =	sdelay $0x4  }
0xab: {  	v5 =	vshll.u32 v4, $0x3  }
0xac: {  	v4 =	vand.u32 $0x7F, v4;
	v5 =	vand.u32 $0xFFFFFC00, v5  }
0xad: {  	v4 =	vor.u32 v4, v5  }
0xae: {  	v4 =	vadd.s32 v1, v4;
	_ =	sdelay $0x4  }
0xaf: {  	[tilespmem:v4+s10+$0x0] =	vst.idx.msk $0xffff, v2  }
0xb0: {  	v4 =	vld [tilespmem:$0x30];
	_ =	sdelay $0x4  }
0xb1: {  	v5 =	vshll.u32 v4, $0x3  }
0xb2: {  	v4 =	vand.u32 $0x7F, v4;
	v5 =	vand.u32 $0xFFFFFC00, v5  }
0xb3: {  	v4 =	vor.u32 v4, v5  }
0xb4: {  	v4 =	vadd.s32 v3, v4;
	_ =	sdelay $0x4  }
0xb5: {  	s14 =	simm.s32 $0xFFFF2000;
	s15 =	simm.s32 $0x40;
	[tilespmem:v4+s10+$0x0] =	vst.idx.msk $0xffff, v2  }
0xb6: {  	[hbm4b:s5+s1] =	stream.linear.scatter [tilespmem:s10], [sflag:$0x2], $0x8000, $0x38;
	[tilespmem:$0x10200] =	vst v63  }
.LBB2_6:
0xb7: {  	_ =	swait.ge [sflag:s11], $0x8000  }
0xb8: {  	[sflag:s11] =	ssyncset.done $0x0  }
0xb9: {  	[sflag:s11] =	ssyncadd.s32 $0xFFFF8000  }
0xba: {  	v4 =	vld [tilespmem:s15+$0xFFFFFFC0];
	_ =	sdelay $0x4  }
0xbb: {  	v5 =	vshll.u32 v4, $0x3  }
0xbc: {  	v4 =	vand.u32 $0x7F, v4;
	v5 =	vand.u32 $0xFFFFFC00, v5  }
0xbd: {  	v4 =	vor.u32 v4, v5  }
0xbe: {  	v4 =	vadd.s32 v1, v4;
	_ =	sdelay $0x4  }
0xbf: {  	[tilespmem:v4+s9+$0x0] =	vst.idx.msk $0xffff, v0  }
0xc0: {  	v4 =	vld [tilespmem:s15+$0xFFFFFFD0];
	_ =	sdelay $0x4  }
0xc1: {  	v5 =	vshll.u32 v4, $0x3  }
0xc2: {  	v4 =	vand.u32 $0x7F, v4;
	v5 =	vand.u32 $0xFFFFFC00, v5  }
0xc3: {  	v4 =	vor.u32 v4, v5  }
0xc4: {  	v4 =	vadd.s32 v3, v4;
	_ =	sdelay $0x4  }
0xc5: {  	[tilespmem:v4+s9+$0x0] =	vst.idx.msk $0xffff, v0  }
0xc6: {  	v4 =	vld [tilespmem:s15+$0x0];
	_ =	sdelay $0x4  }
0xc7: {  	v5 =	vshll.u32 v4, $0x3  }
0xc8: {  	v4 =	vand.u32 $0x7F, v4;
	v5 =	vand.u32 $0xFFFFFC00, v5  }
0xc9: {  	v4 =	vor.u32 v4, v5  }
0xca: {  	v4 =	vadd.s32 v1, v4;
	_ =	sdelay $0x4  }
0xcb: {  	[tilespmem:v4+s9+$0x0] =	vst.idx.msk $0xffff, v2  }
0xcc: {  	v4 =	vld [tilespmem:s15+$0x10];
	_ =	sdelay $0x4  }
0xcd: {  	v5 =	vshll.u32 v4, $0x3  }
0xce: {  	v4 =	vand.u32 $0x7F, v4;
	v5 =	vand.u32 $0xFFFFFC00, v5  }
0xcf: {  	v4 =	vor.u32 v4, v5  }
0xd0: {  	v4 =	vadd.s32 v3, v4;
	_ =	sdelay $0x3  }
0xd1: {  	s16 =	sadd.s32 s14, s7  }
0xd2: {  	s17 =	sadd.s32 $0x10000, s16;
	[tilespmem:v4+s9+$0x0] =	vst.idx.msk $0xffff, v2  }
0xd3: {  	[hbm4b:s17+s1] =	stream.linear.scatter [tilespmem:s9], [sflag:$0x1], $0x8000, $0x38;
	[tilespmem:$0x10200] =	vst v63  }
0xd4: {  	_ =	swait.ge [sflag:s12], $0x8000  }
0xd5: {  	[sflag:s12] =	ssyncset.done $0x0  }
0xd6: {  	[sflag:s12] =	ssyncadd.s32 $0xFFFF8000  }
0xd7: {  	v4 =	vld [tilespmem:s15+$0xFFFFFFE0];
	_ =	sdelay $0x4  }
0xd8: {  	v5 =	vshll.u32 v4, $0x3  }
0xd9: {  	v4 =	vand.u32 $0x7F, v4;
	v5 =	vand.u32 $0xFFFFFC00, v5  }
0xda: {  	v4 =	vor.u32 v4, v5  }
0xdb: {  	v4 =	vadd.s32 v1, v4;
	_ =	sdelay $0x4  }
0xdc: {  	[tilespmem:v4+s10+$0x0] =	vst.idx.msk $0xffff, v0  }
0xdd: {  	v4 =	vld [tilespmem:s15+$0xFFFFFFF0];
	_ =	sdelay $0x4  }
0xde: {  	v5 =	vshll.u32 v4, $0x3  }
0xdf: {  	v4 =	vand.u32 $0x7F, v4;
	v5 =	vand.u32 $0xFFFFFC00, v5  }
0xe0: {  	v4 =	vor.u32 v4, v5  }
0xe1: {  	v4 =	vadd.s32 v3, v4;
	_ =	sdelay $0x4  }
0xe2: {  	[tilespmem:v4+s10+$0x0] =	vst.idx.msk $0xffff, v0  }
0xe3: {  	v4 =	vld [tilespmem:s15+$0x20];
	_ =	sdelay $0x4  }
0xe4: {  	v5 =	vshll.u32 v4, $0x3  }
0xe5: {  	v4 =	vand.u32 $0x7F, v4;
	v5 =	vand.u32 $0xFFFFFC00, v5  }
0xe6: {  	v4 =	vor.u32 v4, v5  }
0xe7: {  	v4 =	vadd.s32 v1, v4;
	_ =	sdelay $0x4  }
0xe8: {  	[tilespmem:v4+s10+$0x0] =	vst.idx.msk $0xffff, v2  }
0xe9: {  	v4 =	vld [tilespmem:s15+$0x30];
	_ =	sdelay $0x4  }
0xea: {  	v5 =	vshll.u32 v4, $0x3  }
0xeb: {  	v4 =	vand.u32 $0x7F, v4;
	v5 =	vand.u32 $0xFFFFFC00, v5  }
0xec: {  	v4 =	vor.u32 v4, v5  }
0xed: {  	v4 =	vadd.s32 v3, v4  }
0xee: {  	p0 =	sne.s32 s14, $0xFFFFE000  }
.Ltmp2:
0xef: {  	_ = 	snop;
	(pc) =	sbr.rel @p0 .LBB2_6-.Ltmp2, $3  }
0xf0: {  	_ =	sdelay $0x1  }
0xf1: {  	s14 =	sadd.s32 $0x2000, s14;
	s16 =	sadd.s32 $0x11000, s16;
	s15 =	sadd.s32 $0x40, s15;
	[tilespmem:v4+s10+$0x0] =	vst.idx.msk $0xffff, v2  }
0xf2: {  	[hbm4b:s16+s1] =	stream.linear.scatter [tilespmem:s10], [sflag:$0x2], $0x8000, $0x38;
	[tilespmem:$0x10200] =	vst v63  }
0xf3: {  	s13 =	sadd.s32 $0x1, s13  }
0xf4: {  	_ =	swait.ge [sflag:s11], $0x8000;
	p0 =	sne.s32 s13, s6  }
.Ltmp3:
0xf5: {  	[sflag:s11] =	ssyncset.done $0x0;
	(pc) =	sbr.rel @p0 .LBB2_1-.Ltmp3, $4  }
0xf6: {  	[sflag:s11] =	ssyncadd.s32 $0xFFFF8000  }
0xf7: {  	_ =	swait.ge [sflag:s12], $0x8000  }
0xf8: {  	[sflag:s12] =	ssyncset.done $0x0  }
0xf9: {  	[sflag:s12] =	ssyncadd.s32 $0xFFFF8000  }
0xfa: {  	_ =	sfence.sel $0x180000  }
0xfb: {  	[bflag:$0x0] =	sbarrier.arrive $0xFFFF  }
0xfc: {  	p0 =	sne.s32 s2, $0x0;
	_ =	strace $0x90000047  }
0xfd: {  	s0 =	sadd.s32 @!p0 $0x100000, s0;
	[bflag:$0x2] =	sbarrier.arrive $0xFFFF  }
0xfe: {  	[sflag:s0] =	ssyncadd.tile.s32 @!p0 $0x1;
	_ =	shalt  }
.Lfunc_end2:
_tile_overlayer_lowered:
.L_overlay_start_2:
0xff: {  	(tag) =	ssettag $0x2  }
0x100: {  	s0 =	rddreg [dreg:$0x0];
	s2 =	stileid.u32  }
0x101: {  	s1 =	rddreg [dreg:$0x1];
	p0 =	sne.s32 s2, $0x0  }
0x102: {  	s3 =	rddreg [dreg:$0x2];
	[bflag:$0x3] =	sbarrier.arrive $0xFFFF;
	s2 =	simm.s32 @!p0 $0x1C03  }
0x103: {  	[timem:s3], [sflag:s2] =	dma.local @!p0 [hbm:s0], s1  }
0x104: {  	s0 =	simm.s32 @!p0 $0x3  }
0x105: {  	_ =	swait.ge @!p0 [sflag:s0], s1  }
0x106: {  	s1 =	ssub.s32 @!p0 $0x0, s1;
	[sflag:s0] =	ssyncset.done @!p0 $0x0  }
0x107: {  	[sflag:s0] =	ssyncadd.s32 @!p0 s1  }
0x108: {  	[bflag:$0x3] =	sbarrier.arrive $0xFFFF  }
0x109: {  	_ =	shalt  }

// kernel: sparse-core-data-format-call.cloned.1.call-start
scs
called_computation_lowered:
.L_overlay_start_0:
0x0: {  	s2 =	sld [smem:$0x3FD9]  }
0x1: {  	s3 =	sld [smem:$0x3FFE];
	_ =	sdelay $0x1  }
0x2: {  	s1 =	srdreg.scid  }
0x3: {  	s0 =	sand.u32 $0x1, s1  }
0x4: {  	s18 =	sshll.u32 s0, $0xA;
	s2 =	sadd.s32 s3, s2  }
0x5: {  	s2 =	sadd.s32 s2, s18  }
0x6: {  	[smem:$0x3FC7] =	sst s2  }
0x7: {  	_ = 	snop  }
0x8: {  	s2 =	sld [smem:$0x3FD0];
	(tm) =	ssettm $0x1  }
0x9: {  	s19 =	sld [smem:$0x3FFB];
	_ =	sdelay $0x3  }
0xa: {  	_ =	strace s19  }
0xb: {  	s3 =	sld [smem:$0x3FFC];
	_ =	sdelay $0x3  }
0xc: {  	_ =	strace s3  }
0xd: {  	s3 =	sld [smem:$0x3FFD];
	_ =	sdelay $0x3  }
0xe: {  	_ =	strace s3  }
0xf: {  	_ =	strace $0x8FFFFFFF  }
0x10: {  	s20 =	sld [smem:$0x3FDB];
	_ =	sdelay $0x1  }
0x11: {  	s4 =	simm.s32 $_scs_section_size  }
0x12: {  	s5 =	simm.s32 $_size__tile_overlayer_lowered;
	s6 =	simm.s32 $_tile_overlayer_lowered  }
0x13: {  	s23 =	simm.s32 $0x1BFF;
	s22 =	sshll.u32 s6, $0x1;
	s3 =	sadd.s32 s4, s20  }
0x14: {  	s7 =	simm.s32 $0x0;
	s21 =	sshll.u32 s5, $0x1;
	s5 =	sadd.s32 s22, s3  }
0x15: {  	[timem:s7], [sflag:s23] =	dma.local [hbm:s5], s21  }
0x16: {  	_ =	swait.ge [sflag:s23], s21  }
0x17: {  	s4 =	ssub.s32 $0x0, s21;
	[sflag:s23] =	ssyncset.done $0x0  }
0x18: {  	[sflag:s23] =	ssyncadd.s32 s4;
	_ =	sdelay $0x1  }
0x19: {  	s24 =	simm.s32 $0x1B8B  }
0x1a: {  	_ =	swait.ge [sflag:s24], $0x1  }
0x1b: {  	[sflag:s24] =	ssyncset.done $0x0  }
0x1c: {  	s26 =	simm.s32 $0x1B8E;
	s25 =	sld [smem:$0x3FFE];
	[sflag:s24] =	ssyncadd.s32 $0xFFFFFFFF  }
0x1d: {  	s27 =	simm.s32 $execute0_lowered;
	[smem:$0x3FD2] =	sst s26  }
0x1e: {  	s5 =	sshll.u32 s27, $0x1;
	_ =	strace $0x80000049;
	[dreg:$0x1] =	wrdreg $0xFFFFFFFF  }
0x1f: {  	s28 =	simm.s32 $_size_execute0_lowered;
	s3 =	sadd.s32 s3, s5;
	[dreg:$0x0] =	wrdreg $0x0  }
0x20: {  	s5 =	sshll.u32 s28, $0x1;
	[dreg:$0x2] =	wrdreg s3  }
0x21: {  	[dreg:$0x3] =	wrdreg s5  }
0x22: {  	[dreg:$0x4] =	wrdreg $0xC0  }
0x23: {  	_ =	task [dreg:s7], $0x5FFFF  }
0x24: {  	[dreg:$0x1] =	wrdreg $0xFFFFFFFF  }
0x25: {  	[dreg:$0x0] =	wrdreg $0x60  }
0x26: {  	[dreg:$0x2] =	wrdreg s25  }
0x27: {  	[dreg:$0x3] =	wrdreg s2  }
0x28: {  	[dreg:$0x4] =	wrdreg $0x9  }
0x29: {  	_ =	task.clear_ibuf [dreg:s7], $0x5FFFF;
	_ =	strace $0x90000049  }
0x2a: {  	s29 =	simm.s32 $0x9;
	_ =	strace $0x8000004B  }
0x2b: {  	_ =	swait.ge [sflag:s29], $0x1  }
0x2c: {  	[sflag:s29] =	ssyncadd.s32 $0xFFFFFFFF  }
0x2d: {  	_ =	strace $0x9000004B  }
0x2e: {  	_ =	sfence  }
0x2f: {  	s30 =	sld [smem:$0x0];
	_ =	sdelay $0x2  }
0x30: {  	s31 =	sshll.u32 s1, $0xD;
	s1 =	sshrl.u32 s1, $0x2  }
0x31: {  	s3 =	sand.u32 $0x4000, s31;
	s1 =	sadd.s32 s1, s30  }
0x32: {  	s0 =	sor.u32 s3, s0;
	s1 =	sshll.u32 s1, $0x11  }
0x33: {  	s0 =	sor.u32 s1, s0  }
0x34: {  	s0 =	sadd.s32 $0x8F2B, s0  }
0x35: {  	[sflag:s0] =	ssyncadd.remote.s32 $0x1  }
0x36: {  	_ =	sfence.sel $0xFFFF  }
0x37: {  	[dreg:$0x0] =	wrdreg $0xFFFFFFFF;
	(pc) =	sbr.abs _section_cstart, $3  }
0x38: {  	[dreg:$0x1] =	wrdreg $0xFFFFFFFF  }
0x39: {  	_ =	task.clear_ibuf [dreg:s7], $0x2FFFF;
	_ =	strace $0x9FFFFFFF  }
0x3a: {  	(tm) =	ssettm $0x7FFFFFFF  }
0x3b: {  	_ =	shalt  }
tec
execute0_lowered:
.L_overlay_start_1:
0x0: {  	(tag) =	ssettag $0x1  }
0x1: {  	s0 =	srdreg.scid;
	s5 =	rddreg [dreg:$0x0]  }
0x2: {  	s3 =	rddreg [dreg:$0x1];
	s1 =	sshll.u32 s0, $0x4  }
0x3: {  	s7 =	simm.s32 $0x1;
	s0 =	stileid.u32;
	s1 =	sand.u32 $0x10, s1  }
0x4: {  	s8 =	simm.s32 $0x2;
	s15 =	simm.s32 $0x0;
	s1 =	sor.u32 s0, s1  }
0x5: {  	s14 =	simm.s32 $0x0;
	s9 =	simm.s32 $0x0;
	s2 =	sshll.u32 s1, $0x7  }
0x6: {  	s10 =	simm.s32 $0x0;
	s11 =	simm.s32 $0x0;
	s6 =	ssub.s32 $0x4000, s2  }
0x7: {  	s13 =	simm.s32 $0x0;
	s5 =	sadd.s32 $0x800, s5;
	s4 =	sand.u32 $0xF80, s6  }
.Ltmp0:
0x8: {  	s1 =	rddreg [dreg:$0x2];
	p0 =	sne.s32 s4, $0x0;
	(pc) =	sbr.rel .LBB1_1-.Ltmp0, $4  }
0x9: {  	_ =	strace $0x8000004A;
	s6 =	sshrl.u32 s6, $0xC;
	s7 =	simm.s32 @!p0 $0x0  }
0xa: {  	s12 =	smov.u32 s2;
	s4 =	simm.s32 $0x1;
	s6 =	sadd.s32 s7, s6  }
0xb: {  	[sflag:s4] =	ssyncpa.u1 $0x0;
	p0 =	por $0x0, $0x0;
	s6 =	sshll.u32 s6, $0x3  }
0xc: {  	[sflag:s8] =	ssyncpa.u1 $0x0;
	s8 =	simm.s32 $0x20000;
	s7 =	sor.u32 $0x1, s6  }
.LBB1_4:
0xd: {  	s20 =	sshra.s32 s20, $0x2  }
0xe: {  	s28 =	sand.u32 $0x78, s10;
	s21 =	sshll.u32 s9, $0xE;
	s22 =	sshll.u32 s10, $0x3  }
0xf: {  	s24 =	sshll.u32 s9, $0x7;
	p1 =	sgt.s32 s9, $0x368;
	s30 =	sshra.s32 s9, $0x1F  }
0x10: {  	s26 =	sshra.s32 s10, $0x1F;
	s19 =	sadd.s32 s20, s19;
	s21 =	sand.u32 $0xFFFE0000, s21  }
0x11: {  	v5 =	vld [tilespmem:s17+$0xFFFFFFD0];
	[tilespmem:s18+$0x2040 ss:$0x81] =	vst.msk $0xffff, v4;
	s23 =	sand.u32 $0xFFFFFC00, s22;
	s29 =	sand.u32 $0x380, s24;
	s22 =	sand.u32 $0x3C00, s22  }
0x12: {  	v58 =	vld [tilespmem:s17+$0xFFFFFFE0];
	[tilespmem:s18+$0x2850 ss:$0x81] =	vst.msk $0xffff, v3;
	s21 =	sadd.s32 s23, s21;
	s20 =	sor.u32 s28, s22;
	s22 =	smov.u32 s9  }
0x13: {  	v59 =	vld [tilespmem:s17+$0xFFFFFFF0];
	[tilespmem:s18+$0x3060 ss:$0x81] =	vst.msk $0xffff, v2;
	s24 =	sand.u32 s30, s9;
	s21 =	sshrl.u32 s21, $0xE;
	s22 =	simm.s32 @!p1 $0x368  }
0x14: {  	v60 =	vld [tilespmem:s17+$0x0];
	[tilespmem:s18+$0x0 ss:$0x81] =	vst.msk $0xffff, v1;
	p1 =	sgt.s32 s10, $0x3F80;
	s31 =	ssub.s32 s22, s24;
	s22 =	smov.u32 s10  }
0x15: {  	v61 =	vld [tilespmem:s17+$0x10];
	[tilespmem:s19+$0x3870 ss:$0x81] =	vst.msk $0xffff, v0;
	s25 =	smulhi.u32 $0x418938, s21;
	s24 =	sand.u32 s26, s10;
	s22 =	simm.s32 @!p1 $0x3F80  }
0x16: {  	v62 =	vld [tilespmem:s17+$0x20];
	s20 =	sor.u32 s29, s20;
	[tilespmem:s19+$0x810 ss:$0x81] =	vst.msk $0xffff, v5;
	s27 =	sadd.s32 $0xFFFFFC98, s31;
	s22 =	ssub.s32 s22, s24  }
0x17: {  	v63 =	vld [tilespmem:s17+$0xFFFFFFC0];
	[tilespmem:s19+$0x1020 ss:$0x81] =	vst.msk $0xffff, v58;
	s18 =	ssub.s32 $0x3E8, s31;
	s28 =	smul.u32 $0x3E8, s25;
	s29 =	sadd.s32 $0xFFFFC080, s22  }
0x18: {  	[tilespmem:s19+$0x1830 ss:$0x81] =	vst.msk $0xffff, v59;
	p1 =	sgt.s32 s27, $0x7F;
	s22 =	ssub.s32 $0x4000, s22;
	p2 =	sgt.s32 s29, $0x7F  }
0x19: {  	s30 =	sand.u32 $0x7, s10;
	[tilespmem:s19+$0x2040 ss:$0x81] =	vst.msk $0xffff, v60;
	s18 =	simm.s32 @p1 $0x0;
	s22 =	simm.s32 @p2 $0x0  }
0x1a: {  	s20 =	sshrl.u32 s20, $0x3;
	[tilespmem:s19+$0x2850 ss:$0x81] =	vst.msk $0xffff, v61;
	s17 =	ssub.s32 s21, s28;
	s18 =	smul.u32 s22, s18  }
0x1b: {  	[tilespmem:s19+$0x3060 ss:$0x81] =	vst.msk $0xffff, v62;
	s20 =	sadd.s32 s3, s20;
	s21 =	sshll.u32 s30, $0x12;
	s17 =	sshll.u32 s17, $0xB  }
0x1c: {  	[tilespmem:s19+$0x0 ss:$0x81] =	vst.msk $0xffff, v63;
	s31 =	sor.u32 $0x400, s21;
	s17 =	sadd.s32 s17, s20;
	s18 =	sand.u32 $0x3FFFFFFF, s18  }
0x1d: {  	[hbm4b:s17+s31] =	stream.strided.scatter [tilespmem:s16], [sflag:$0x2], s18, s8, s31, $0x20;
	[tilespmem:$0x10100] =	vst v63  }
.LBB1_5:
0x1e: {  	p1 =	slt.u32 s13, $0x2  }
0x1f: {  	s17 =	smov.u32 s15;
	p2 =	sgt.s32 @!p1 s15, $0x368;
	s16 =	sshra.s32 @!p1 s15, $0x1F  }
0x20: {  	p3 =	sgt.s32 @!p1 s14, $0x3F80;
	s18 =	sshra.s32 @!p1 s14, $0x1F;
	p2 =	por !p2, p1  }
0x21: {  	s15 =	sand.u32 @!p1 s16, s15;
	p3 =	por !p3, p1;
	s16 =	smov.u32 s14  }
0x22: {  	s14 =	sand.u32 @!p1 s18, s14;
	s17 =	simm.s32 @p2 $0x368;
	s16 =	simm.s32 @p3 $0x3F80  }
0x23: {  	s15 =	ssub.s32 @!p1 s17, s15;
	s14 =	ssub.s32 @!p1 s16, s14  }
0x24: {  	s18 =	smov.u32 s12;
	s16 =	sadd.s32 @!p1 $0xFFFFFC98, s15;
	s17 =	sadd.s32 @!p1 $0xFFFFC080, s14  }
0x25: {  	s15 =	ssub.s32 @!p1 $0x3E8, s15;
	p2 =	sgt.s32 @!p1 s16, $0x7F;
	p3 =	sgt.s32 @!p1 s17, $0x7F  }
0x26: {  	s14 =	ssub.s32 @!p1 $0x4000, s14;
	p2 =	por !p2, p1;
	p3 =	por !p3, p1  }
0x27: {  	s16 =	sadd.s32 $0x80, s11;
	s15 =	simm.s32 @!p2 $0x0;
	s14 =	simm.s32 @!p3 $0x0  }
0x28: {  	p2 =	sgt.s32 s16, $0x3E7;
	s14 =	smul.u32 @!p1 s14, s15;
	s15 =	sadd.s32 $0x1000, s12  }
0x29: {  	s18 =	smov.u32 @p2 s15  }
0x2a: {  	s16 =	simm.s32 @p2 $0x0;
	p2 =	sgt.s32 s18, $0x3FFF  }
0x2b: {  	s18 =	smov.u32 @p2 s2;
	p2 =	sne.s32 s13, s7  }
.Ltmp1:
0x2c: {  	p0 =	por !p0, !p0;
	s17 =	simm.s32 @!p1 $0x2;
	(pc) =	sbr.rel @!p2 .LBB1_6-.Ltmp1, $4  }
0x2d: {  	s15 =	smov.u32 s9;
	s9 =	smov.u32 s11;
	s14 =	sand.u32 @!p1 $0x3FFFFFFF, s14  }
0x2e: {  	s11 =	smov.u32 s16;
	_ =	swait.ge @!p1 [sflag:s17], s14;
	s19 =	ssub.s32 @!p1 $0x0, s14  }
0x2f: {  	s14 =	smov.u32 s10;
	s13 =	sadd.s32 $0x1, s13;
	[sflag:s17] =	ssyncset.done @!p1 $0x0  }
0x30: {  	s10 =	smov.u32 s12;
	s12 =	smov.u32 s18;
	[sflag:s17] =	ssyncadd.s32 @!p1 s19  }
.LBB1_1:
0x31: {  	p1 =	sge.u32 s13, s6  }
0x32: {  	s31 =	sadd.s32 $0xFFFFFFFF, s13;
	s16 =	sshll.u32 @!p1 s12, $0xA  }
0x33: {  	s17 =	sshll.u32 @!p1 s11, $0x3;
	s18 =	sshll.u32 @!p1 s12, $0x7;
	s16 =	sand.u32 @!p1 $0xFFE000, s16  }
0x34: {  	s19 =	sand.u32 @!p1 $0x78, s11;
	s16 =	sadd.s32 @!p1 s16, s17;
	s17 =	sand.u32 @!p1 $0x380, s18  }
0x35: {  	s18 =	sxor.u32 @!p1 $0xFFFFFFFF, s13;
	s16 =	sand.u32 @!p1 $0xFFFC00, s16;
	s17 =	sor.u32 @!p1 s17, s19  }
0x36: {  	s18 =	sshll.u32 @!p1 s18, $0xE;
	s16 =	sor.u32 @!p1 s16, s17;
	s17 =	sand.u32 @!p1 $0x7, s11  }
0x37: {  	s19 =	simm.s32 @!p1 $0x2000;
	s16 =	sshrl.u32 @!p1 s16, $0x3;
	s17 =	sshll.u32 @!p1 s17, $0x12  }
0x38: {  	s18 =	sand.u32 @!p1 $0x4000, s18;
	s16 =	sadd.s32 @!p1 s5, s16;
	s17 =	sor.u32 @!p1 $0x400, s17  }
0x39: {  	[tilespmem:s18], [sflag:$0x1] =	stream.strided.gather @!p1 [hbm4b:s16+s17], $0x4000, s19, s17, $0x38;
	[tilespmem:$0x10100] =	vst v63  }
0x3a: {  	p1 =	sge.u32 s31, s6  }
.Ltmp2:
0x3b: {  	_ = 	snop;
	(pc) =	sbr.rel @p1 .LBB1_5-.Ltmp2, $1  }
0x3c: {  	_ =	sdelay $0x3  }
0x3d: {  	s16 =	simm.s32 $0x1  }
0x3e: {  	_ =	swait.ge [sflag:s4], $0x4000;
	s16 =	simm.s32 @!p0 $0x0  }
0x3f: {  	[sflag:s4] =	ssyncset.done $0x0;
	s17 =	sshll.u32 s16, $0xE  }
0x40: {  	[sflag:s4] =	ssyncadd.s32 $0xFFFFC000;
	s17 =	sor.u32 $0x40, s17  }
0x41: {  	s16 =	smul.u32 $0x10200, s16;
	v0 =	vld [tilespmem:s17+$0x30]  }
0x42: {  	v1 =	vld [tilespmem:s17+$0xFFFFFFD0]  }
0x43: {  	s16 =	sshrl.u32 s16, $0x2;
	v5 =	vld [tilespmem:s17+$0xFFFFFFE0]  }
0x44: {  	v6 =	vld [tilespmem:s17+$0xFFFFFFF0];
	s19 =	sor.u32 $0x8000, s16  }
0x45: {  	s31 =	sand.u32 $0x1, s13;
	v4 =	vld [tilespmem:s17+$0x0];
	s18 =	sadd.s32 $0x0, s19  }
0x46: {  	v3 =	vld [tilespmem:s17+$0x10];
	s16 =	smul.u32 $0x10200, s31;
	[tilespmem:s18+$0x3870 ss:$0x81] =	vst.msk $0xffff, v0  }
0x47: {  	v2 =	vld [tilespmem:s17+$0x20];
	[tilespmem:s18+$0x810 ss:$0x81] =	vst.msk $0xffff, v1  }
0x48: {  	s16 =	sshrl.u32 s16, $0x2;
	v1 =	vld [tilespmem:s17+$0xFFFFFFC0];
	[tilespmem:s18+$0x1020 ss:$0x81] =	vst.msk $0xffff, v5;
	s17 =	sadd.s32 $0x80, s17  }
0x49: {  	s20 =	simm.s32 $0x4;
	s21 =	simm.s32 $0x8;
	s16 =	sor.u32 $0x8000, s16;
	[tilespmem:s18+$0x1830 ss:$0x81] =	vst.msk $0xffff, v6;
	v0 =	vld [tilespmem:s17+$0x30]  }
.LBB1_3:
0x4a: {  	p1 =	sne.s32 s21, $0x1FC;
	v5 =	vld [tilespmem:s17+$0xFFFFFFD0];
	[tilespmem:s18+$0x2040 ss:$0x81] =	vst.msk $0xffff, v4  }
0x4b: {  	v6 =	vld [tilespmem:s17+$0xFFFFFFE0];
	[tilespmem:s18+$0x2850 ss:$0x81] =	vst.msk $0xffff, v3  }
0x4c: {  	s22 =	sshra.s32 s20, $0x2;
	s20 =	smov.u32 s21;
	v7 =	vld [tilespmem:s17+$0xFFFFFFF0];
	[tilespmem:s18+$0x3060 ss:$0x81] =	vst.msk $0xffff, v2  }
.Ltmp3:
0x4d: {  	v4 =	vld [tilespmem:s17+$0x0];
	[tilespmem:s18+$0x0 ss:$0x81] =	vst.msk $0xffff, v1;
	s18 =	sadd.s32 s22, s19;
	(pc) =	sbr.rel @p1 .LBB1_3-.Ltmp3, $4  }
0x4e: {  	v3 =	vld [tilespmem:s17+$0x10];
	[tilespmem:s18+$0x3870 ss:$0x81] =	vst.msk $0xffff, v0  }
0x4f: {  	[tilespmem:s18+$0x810 ss:$0x81] =	vst.msk $0xffff, v5;
	v2 =	vld [tilespmem:s17+$0x20]  }
0x50: {  	v1 =	vld [tilespmem:s17+$0xFFFFFFC0];
	[tilespmem:s18+$0x1020 ss:$0x81] =	vst.msk $0xffff, v6;
	s17 =	sadd.s32 $0x80, s17  }
0x51: {  	s21 =	sadd.s32 $0x4, s21;
	v0 =	vld [tilespmem:s17+$0x30];
	[tilespmem:s18+$0x1830 ss:$0x81] =	vst.msk $0xffff, v7  }
.Ltmp4:
0x52: {  	_ = 	snop;
	(pc) =	sbr.rel .LBB1_4-.Ltmp4, $1  }
0x53: {  	_ =	sdelay $0x3  }
.LBB1_6:
0x54: {  	_ =	sfence.sel $0x180000  }
0x55: {  	s2 =	simm.s32 $0x1;
	[bflag:$0x0] =	sbarrier.arrive $0xFFFF  }
0x56: {  	s31 =	simm.s32 $0x2;
	[sflag:s2] =	ssyncpa.u1 $0x1  }
0x57: {  	[sflag:s31] =	ssyncpa.u1 $0x1  }
0x58: {  	p0 =	sne.s32 s0, $0x0;
	_ =	strace $0x9000004A  }
0x59: {  	s0 =	sadd.s32 @!p0 $0x100000, s1;
	[bflag:$0x2] =	sbarrier.arrive $0xFFFF  }
0x5a: {  	[sflag:s0] =	ssyncadd.tile.s32 @!p0 $0x1;
	_ =	shalt  }
.Lfunc_end1:
_tile_overlayer_lowered:
.L_overlay_start_2:
0x5b: {  	(tag) =	ssettag $0x2  }
0x5c: {  	s0 =	rddreg [dreg:$0x0];
	s2 =	stileid.u32  }
0x5d: {  	s1 =	rddreg [dreg:$0x1];
	p0 =	sne.s32 s2, $0x0  }
0x5e: {  	s3 =	rddreg [dreg:$0x2];
	[bflag:$0x3] =	sbarrier.arrive $0xFFFF;
	s2 =	simm.s32 @!p0 $0x1C01  }
0x5f: {  	[timem:s3], [sflag:s2] =	dma.local @!p0 [hbm:s0], s1  }
0x60: {  	s0 =	simm.s32 @!p0 $0x1  }
0x61: {  	_ =	swait.ge @!p0 [sflag:s0], s1  }
0x62: {  	s1 =	ssub.s32 @!p0 $0x0, s1;
	[sflag:s0] =	ssyncset.done @!p0 $0x0  }
0x63: {  	[sflag:s0] =	ssyncadd.s32 @!p0 s1  }
0x64: {  	[bflag:$0x3] =	sbarrier.arrive $0xFFFF  }
0x65: {  	_ =	shalt  }

</sc_bundles>
